<compile_context>
chip_gen: v7x
topology: tpu7x:2x2x1
jax: 0.10.2.dev20260603
libtpu: 0.0.44.dev20260713+nightly
codegen_flags: <defaults>
</compile_context>

<pallas_src>
import jax
import jax.numpy as jnp
from jax import lax
from jax.experimental import pallas as pl
from jax.experimental.pallas import tpu as pltpu
from jax.experimental.pallas import tpu_sc as plsc

N = 1000000
D0 = 512
NOCT = D0 // 8
PLANE_ROWS = D0 * NOCT
CHUNK = 128
SUB = 128
NSUB = CHUNK // SUB
NCHUNKS = (N + CHUNK - 1) // CHUNK
NW = 32
KMAX = (NCHUNKS + NW - 1) // NW


def _body(xyz_hbm, table_hbm, out_hbm,
          xyz_v, idxA_v, idxB_v, idxC_v, frX_v, frY_v, frZ_v,
          octA_v, octB_v, octC_v, rowsA_v, rowsB_v, rowsC_v, out_v, sem):
    cid = lax.axis_index("c")
    sid = lax.axis_index("s")
    wid = sid * 2 + cid

    iota = lax.iota(jnp.int32, 16)

    def chunk_body(k, _):
        cc = wid + k * NW

        @pl.when(cc < NCHUNKS)
        def _():
            base = jnp.minimum(cc * CHUNK, N - CHUNK)
            pltpu.sync_copy(xyz_hbm.at[pl.ds(base, CHUNK)], xyz_v)

            def p1(g, _):
                i16 = g * 16 + iota
                xv = plsc.load_gather(xyz_v, [i16, jnp.full((16,), 0, jnp.int32)])
                yv = plsc.load_gather(xyz_v, [i16, jnp.full((16,), 1, jnp.int32)])
                zv = plsc.load_gather(xyz_v, [i16, jnp.full((16,), 2, jnp.int32)])
                X = ((xv + 1.0) * 511.0) * 0.5
                Y = ((yv + 1.0) * 511.0) * 0.5
                Z = ((zv / 0.05 + 1.0) * 511.0) * 0.5

                def coords(s):
                    ti = s.astype(jnp.int32)
                    tf = ti.astype(jnp.float32)
                    fl = jnp.where(s < tf, tf - 1.0, tf)
                    fr = s - fl
                    ci = jnp.minimum(jnp.maximum(ti, 0), D0 - 2)
                    return fr, ci

                frX, ciX = coords(X)
                frY, ciY = coords(Y)
                frZ, ciZ = coords(Z)

                sl = pl.ds(g * 16, 16)
                idxA_v[sl] = ciX * NOCT + (ciY >> 3)
                idxB_v[sl] = ciY * NOCT + (ciZ >> 3) + 2 * PLANE_ROWS
                idxC_v[sl] = ciZ * NOCT + (ciX >> 3) + 1 * PLANE_ROWS
                octA_v[sl] = (ciY & 7) * 16
                octB_v[sl] = (ciZ & 7) * 16
                octC_v[sl] = (ciX & 7) * 16
                frX_v[sl] = frX
                frY_v[sl] = frY
                frZ_v[sl] = frZ
                return 0

            lax.fori_loop(0, CHUNK // 16, p1, 0)

            copies = []
            for idx_r, rows_r in ((idxA_v, rowsA_v), (idxB_v, rowsB_v),
                                  (idxC_v, rowsC_v)):
                copies.append(pltpu.async_copy(
                    table_hbm.at[idx_r], rows_r, sem))
            for cpy in copies:
                cpy.wait()

            def p3(g, _):
                i16 = g * 16 + iota
                sl = pl.ds(g * 16, 16)
                ru3 = (frX_v[sl], frY_v[sl], frZ_v[sl])
                oct3 = (octA_v[sl], octB_v[sl], octC_v[sl])
                rows3 = (rowsA_v, rowsB_v, rowsC_v)
                for p in range(3):
                    ru = ru3[p]
                    rv = ru3[(p + 1) % 3]
                    rows_r = rows3[p]
                    off = oct3[p]
                    gu = 1.0 - ru
                    gv = 1.0 - rv
                    w00 = gu * gv
                    w01 = gu * rv
                    w10 = ru * gv
                    w11 = ru * rv
                    for c in range(4):
                        v00 = plsc.load_gather(rows_r, [i16, off + c])
                        v01 = plsc.load_gather(rows_r, [i16, off + (4 + c)])
                        v10 = plsc.load_gather(rows_r, [i16, off + (8 + c)])
                        v11 = plsc.load_gather(rows_r, [i16, off + (12 + c)])
                        acc = ((w00 * v00 + w10 * v10) + w01 * v01) + w11 * v11
                        plsc.store_scatter(out_v, [i16, jnp.full((16,), 4 * p + c, jnp.int32)], acc)
                return 0

            lax.fori_loop(0, CHUNK // 16, p3, 0)

            pltpu.sync_copy(out_v, out_hbm.at[pl.ds(base, CHUNK)])

        return 0

    lax.fori_loop(0, KMAX, chunk_body, 0)


def kernel(xyz, feature_maps):
    fmT = jnp.transpose(feature_maps, (0, 2, 3, 1))
    packed = jnp.concatenate(
        [fmT,
         jnp.roll(fmT, -1, axis=2),
         jnp.roll(fmT, -1, axis=1),
         jnp.roll(jnp.roll(fmT, -1, axis=1), -1, axis=2)],
        axis=-1)
    table = packed.reshape(3 * PLANE_ROWS, 128)

    mesh = plsc.VectorSubcoreMesh(core_axis_name="c", subcore_axis_name="s")
    run = pl.kernel(
        _body, mesh=mesh,
        out_type=jax.ShapeDtypeStruct((N, 12), jnp.float32),
        compiler_params=pltpu.CompilerParams(needs_layout_passes=False),
        scratch_types=[
            pltpu.VMEM((CHUNK, 3), jnp.float32),
            pltpu.VMEM((CHUNK,), jnp.int32),
            pltpu.VMEM((CHUNK,), jnp.int32),
            pltpu.VMEM((CHUNK,), jnp.int32),
            pltpu.VMEM((CHUNK,), jnp.float32),
            pltpu.VMEM((CHUNK,), jnp.float32),
            pltpu.VMEM((CHUNK,), jnp.float32),
            pltpu.VMEM((CHUNK,), jnp.int32),
            pltpu.VMEM((CHUNK,), jnp.int32),
            pltpu.VMEM((CHUNK,), jnp.int32),
            pltpu.VMEM((CHUNK, 128), jnp.float32),
            pltpu.VMEM((CHUNK, 128), jnp.float32),
            pltpu.VMEM((CHUNK, 128), jnp.float32),
            pltpu.VMEM((CHUNK, 12), jnp.float32),
            pltpu.SemaphoreType.DMA,
        ])
    return run(xyz, table)

# --- scband reference (transcript-rebuilt; emitter-appended) ---
"""Pipeline reference for scband-triplane-69879117906796 (READ-ONLY COPY).

The authoritative reference and input builder live on the scoring server;
editing this copy changes nothing except your own understanding.
"""

import jax, jax.numpy as jnp
import numpy as np

CHANNEL = 4
SCALE_D = 0.05


def _bilinear(coords, img_chw, scale_0, scale_1):
    # img: c h w -> h w c
    img = jnp.transpose(img_chw, (1, 2, 0))
    D0, D1 = img.shape[0], img.shape[1]
    x = coords[:, 0]
    y = coords[:, 1]
    x = (x / scale_0 + 1.0) * (D0 - 1) * 0.5
    y = (y / scale_1 + 1.0) * (D1 - 1) * 0.5
    x0 = jax.lax.stop_gradient(jnp.floor(x))
    x1 = x0 + 1.0
    y0 = jax.lax.stop_gradient(jnp.floor(y))
    y1 = y0 + 1.0
    wa = (x1 - x) * (y1 - y)
    wb = (x - x0) * (y1 - y)
    wc = (x1 - x) * (y - y0)
    wd = (x - x0) * (y - y0)
    x0i = jnp.clip(x0, 0, D0 - 2).astype(jnp.int32)
    x1i = jnp.clip(x1, 1, D0 - 1).astype(jnp.int32)
    y0i = jnp.clip(y0, 0, D1 - 2).astype(jnp.int32)
    y1i = jnp.clip(y1, 1, D1 - 1).astype(jnp.int32)
    Ia = img[x0i, y0i, :]
    Ib = img[x1i, y0i, :]
    Ic = img[x0i, y1i, :]
    Id = img[x1i, y1i, :]
    return (wa[..., None] * Ia + wb[..., None] * Ib
            + wc[..., None] * Ic + wd[..., None] * Id)


def setup_inputs(seed: int = 0) -> dict:
    key = jax.random.key(seed)
    k1, k2 = jax.random.split(key)
    xyz = jax.random.normal(k1, (1000000, 3), dtype=jnp.float32)
    feature_maps = jax.random.normal(k2, (3, 4, 512, 512), dtype=jnp.float32)
    return {"xyz": xyz, "feature_maps": feature_maps}


def reference(xyz, feature_maps):
    hh, ww = feature_maps.shape[-2], feature_maps.shape[-1]
    q = feature_maps.reshape(3, CHANNEL, hh, ww)
    xy_coords = xyz[:, jnp.array([0, 1])]
    yz_coords = xyz[:, jnp.array([1, 2])]
    zx_coords = xyz[:, jnp.array([2, 0])]
    sampled_xy = _bilinear(xy_coords, q[0], 1.0, 1.0)
    sampled_yz = _bilinear(yz_coords, q[2], 1.0, SCALE_D)
    sampled_zx = _bilinear(zx_coords, q[1], SCALE_D, 1.0)
    return jnp.concatenate([sampled_xy, sampled_yz, sampled_zx], axis=-1)

if __name__ == "__main__":
    import jax
    _d = setup_inputs()
    print(jax.jit(kernel)(*tuple(_d.values())))

</pallas_src>

<mosaic_0001>
#map = affine_map<(d0, d1) -> (0, 0)>
module attributes {stable_mosaic.version = 14 : i64} {
  func.func @_body(%arg0: i32, %arg1: i32, %arg2: memref<1000000x3xf32, #tpu.memory_space<hbm>>, %arg3: memref<98304x128xf32, #tpu.memory_space<hbm>>, %arg4: memref<1000000x12xf32, #tpu.memory_space<hbm>>, %arg5: memref<128x3xf32, #tpu.memory_space<vmem>>, %arg6: memref<128xi32, #tpu.memory_space<vmem>>, %arg7: memref<128xi32, #tpu.memory_space<vmem>>, %arg8: memref<128xi32, #tpu.memory_space<vmem>>, %arg9: memref<128xf32, #tpu.memory_space<vmem>>, %arg10: memref<128xf32, #tpu.memory_space<vmem>>, %arg11: memref<128xf32, #tpu.memory_space<vmem>>, %arg12: memref<128xi32, #tpu.memory_space<vmem>>, %arg13: memref<128xi32, #tpu.memory_space<vmem>>, %arg14: memref<128xi32, #tpu.memory_space<vmem>>, %arg15: memref<128x128xf32, #tpu.memory_space<vmem>>, %arg16: memref<128x128xf32, #tpu.memory_space<vmem>>, %arg17: memref<128x128xf32, #tpu.memory_space<vmem>>, %arg18: memref<128x12xf32, #tpu.memory_space<vmem>>, %arg19: memref<!tpu.dma_semaphore, #tpu.memory_space<semaphore_mem>>) attributes {dimension_semantics = [#tpu.dimension_semantics<core_parallel>, #tpu.dimension_semantics<subcore_parallel>], iteration_bounds = array<i64: 2, 16>, scalar_prefetch = 0 : i64, scratch_operands = 15 : i64, tpu.core_type = #tpu.core_type<sc_vector_subcore>, window_params = [{transform_indices = #map}, {transform_indices = #map}, {transform_indices = #map}]} {
    %mul3A = arith.constant 2 : i32
    %mul3A_0 = arith.muli %arg1, %mul3A : i32
    %add3A = arith.addi %mul3A_0, %arg0 : i32
    %iota3A = tpu.iota {dimensions = array<i32: 0>} : vector<16xi32>
    %scan3A = arith.constant 0 : i32
    %scan3A_1 = arith.constant 0 : i32
    %scan3A_2 = arith.constant 245 : i32
    %scan3A_3 = arith.addi %scan3A_1, %scan3A_2 : i32
    %scan3A_4 = arith.constant 1 : i32
    %scan3A_5 = scf.for %scan3A_7 = %scan3A_1 to %scan3A_3 step %scan3A_4 iter_args(%scan3A_8 = %scan3A) -> (i32)  : i32 {
      %mul3A_9 = arith.constant 32 : i32
      %mul3A_10 = arith.muli %scan3A_7, %mul3A_9 : i32
      %add3A_11 = arith.addi %add3A, %mul3A_10 : i32
      %lt3A = arith.constant 7813 : i32
      %lt3A_12 = arith.cmpi slt, %add3A_11, %lt3A : i32
      %convert_element_type3A = arith.extui %lt3A_12 : i1 to i32
      %cond3A = arith.constant 0 : i32
      %cond3A_13 = arith.cmpi ne, %convert_element_type3A, %cond3A : i32
      scf.if %cond3A_13 {
        %mul3A_15 = arith.constant 128 : i32
        %mul3A_16 = arith.muli %add3A_11, %mul3A_15 : i32
        %min3A = arith.constant 999872 : i32
        %min3A_17 = arith.minsi %mul3A_16, %min3A : i32
        "tpu.region"() ({
          %run_scoped3A = tpu.sem_alloc : memref<!tpu.dma_semaphore, #tpu.memory_space<semaphore_mem>>
          %dma_start3A_48 = arith.constant 0 : i32
          %dma_start3A_49 = tpu.memref_slice %arg2[%min3A_17, %dma_start3A_48] : memref<1000000x3xf32, #tpu.memory_space<hbm>> -> memref<128x3xf32, #tpu.memory_space<hbm>>
          %dma_start3A_50 = arith.constant 0 : i32
          %dma_start3A_51 = tpu.memref_slice %arg2[%min3A_17, %dma_start3A_50] : memref<1000000x3xf32, #tpu.memory_space<hbm>> -> memref<128x3xf32, #tpu.memory_space<hbm>>
          tpu.enqueue_dma source(%dma_start3A_51 : memref<128x3xf32, #tpu.memory_space<hbm>>) target(%arg5 : memref<128x3xf32, #tpu.memory_space<vmem>>) target_semaphore(%run_scoped3A : memref<!tpu.dma_semaphore, #tpu.memory_space<semaphore_mem>>)
          %dma_wait3A_52 = arith.constant 0 : i32
          %dma_wait3A_53 = tpu.memref_slice %arg2[%min3A_17, %dma_wait3A_52] : memref<1000000x3xf32, #tpu.memory_space<hbm>> -> memref<128x3xf32, #tpu.memory_space<hbm>>
          %dma_wait3A_54 = arith.constant 0 : i32
          %dma_wait3A_55 = tpu.memref_slice %arg2[%min3A_17, %dma_wait3A_54] : memref<1000000x3xf32, #tpu.memory_space<hbm>> -> memref<128x3xf32, #tpu.memory_space<hbm>>
          tpu.wait_dma2 semaphore(%run_scoped3A : memref<!tpu.dma_semaphore, #tpu.memory_space<semaphore_mem>>) src(%dma_wait3A_55 : memref<128x3xf32, #tpu.memory_space<hbm>>) dst(%arg5 : memref<128x3xf32, #tpu.memory_space<vmem>>)
          tpu.yield
        }) : () -> ()
        %scan3A_18 = arith.constant 0 : i32
        %scan3A_19 = arith.constant 0 : i32
        %scan3A_20 = arith.constant 8 : i32
        %scan3A_21 = arith.addi %scan3A_19, %scan3A_20 : i32
        %scan3A_22 = arith.constant 1 : i32
        %scan3A_23 = scf.for %scan3A_48 = %scan3A_19 to %scan3A_21 step %scan3A_22 iter_args(%scan3A_49 = %scan3A_18) -> (i32)  : i32 {
          %mul3A_50 = arith.constant 16 : i32
          %mul3A_51 = arith.muli %scan3A_48, %mul3A_50 : i32
          %add3A_52 = vector.broadcast %mul3A_51 : i32 to vector<16xi32>
          %add3A_53 = arith.addi %add3A_52, %iota3A : vector<16xi32>
          %broadcast_in_dim3A = arith.constant 0 : i32
          %broadcast_in_dim3A_54 = vector.broadcast %broadcast_in_dim3A : i32 to vector<16xi32>
          %gather3A = tpu.vector_load_idx %arg5[%add3A_53, %broadcast_in_dim3A_54] : memref<128x3xf32, #tpu.memory_space<vmem>>[vector<16xi32>, vector<16xi32>], vector<16xf32>,
          %broadcast_in_dim3A_55 = arith.constant 1 : i32
          %broadcast_in_dim3A_56 = vector.broadcast %broadcast_in_dim3A_55 : i32 to vector<16xi32>
          %gather3A_57 = tpu.vector_load_idx %arg5[%add3A_53, %broadcast_in_dim3A_56] : memref<128x3xf32, #tpu.memory_space<vmem>>[vector<16xi32>, vector<16xi32>], vector<16xf32>,
          %broadcast_in_dim3A_58 = arith.constant 2 : i32
          %broadcast_in_dim3A_59 = vector.broadcast %broadcast_in_dim3A_58 : i32 to vector<16xi32>
          %gather3A_60 = tpu.vector_load_idx %arg5[%add3A_53, %broadcast_in_dim3A_59] : memref<128x3xf32, #tpu.memory_space<vmem>>[vector<16xi32>, vector<16xi32>], vector<16xf32>,
          %add3A_61 = arith.constant 1.000000e+00 : f32
          %add3A_62 = vector.broadcast %add3A_61 : f32 to vector<16xf32>
          %add3A_63 = arith.addf %gather3A, %add3A_62 : vector<16xf32>
          %mul3A_64 = arith.constant 5.110000e+02 : f32
          %mul3A_65 = vector.broadcast %mul3A_64 : f32 to vector<16xf32>
          %mul3A_66 = arith.mulf %add3A_63, %mul3A_65 : vector<16xf32>
          %mul3A_67 = arith.constant 5.000000e-01 : f32
          %mul3A_68 = vector.broadcast %mul3A_67 : f32 to vector<16xf32>
          %mul3A_69 = arith.mulf %mul3A_66, %mul3A_68 : vector<16xf32>
          %add3A_70 = arith.constant 1.000000e+00 : f32
          %add3A_71 = vector.broadcast %add3A_70 : f32 to vector<16xf32>
          %add3A_72 = arith.addf %gather3A_57, %add3A_71 : vector<16xf32>
          %mul3A_73 = arith.constant 5.110000e+02 : f32
          %mul3A_74 = vector.broadcast %mul3A_73 : f32 to vector<16xf32>
          %mul3A_75 = arith.mulf %add3A_72, %mul3A_74 : vector<16xf32>
          %mul3A_76 = arith.constant 5.000000e-01 : f32
          %mul3A_77 = vector.broadcast %mul3A_76 : f32 to vector<16xf32>
          %mul3A_78 = arith.mulf %mul3A_75, %mul3A_77 : vector<16xf32>
          %div3A = arith.constant 5.000000e-02 : f32
          %div3A_79 = vector.broadcast %div3A : f32 to vector<16xf32>
          %div3A_80 = arith.divf %gather3A_60, %div3A_79 : vector<16xf32>
          %add3A_81 = arith.constant 1.000000e+00 : f32
          %add3A_82 = vector.broadcast %add3A_81 : f32 to vector<16xf32>
          %add3A_83 = arith.addf %div3A_80, %add3A_82 : vector<16xf32>
          %mul3A_84 = arith.constant 5.110000e+02 : f32
          %mul3A_85 = vector.broadcast %mul3A_84 : f32 to vector<16xf32>
          %mul3A_86 = arith.mulf %add3A_83, %mul3A_85 : vector<16xf32>
          %mul3A_87 = arith.constant 5.000000e-01 : f32
          %mul3A_88 = vector.broadcast %mul3A_87 : f32 to vector<16xf32>
          %mul3A_89 = arith.mulf %mul3A_86, %mul3A_88 : vector<16xf32>
          %convert_element_type3A_90 = arith.fptosi %mul3A_69 : vector<16xf32> to vector<16xi32>
          %convert_element_type3A_91 = arith.sitofp %convert_element_type3A_90 : vector<16xi32> to vector<16xf32>
          %lt3A_92 = arith.cmpf olt, %mul3A_69, %convert_element_type3A_91 : vector<16xf32>
          %sub3A = arith.constant 1.000000e+00 : f32
          %sub3A_93 = vector.broadcast %sub3A : f32 to vector<16xf32>
          %sub3A_94 = arith.subf %convert_element_type3A_91, %sub3A_93 : vector<16xf32>
          %select_n3A = arith.select %lt3A_92, %sub3A_94, %convert_element_type3A_91 : vector<16xi1>, vector<16xf32>
          %sub3A_95 = arith.subf %mul3A_69, %select_n3A : vector<16xf32>
          %max3A = arith.constant 0 : i32
          %max3A_96 = vector.broadcast %max3A : i32 to vector<16xi32>
          %max3A_97 = arith.maxsi %convert_element_type3A_90, %max3A_96 : vector<16xi32>
          %min3A_98 = arith.constant 510 : i32
          %min3A_99 = vector.broadcast %min3A_98 : i32 to vector<16xi32>
          %min3A_100 = arith.minsi %max3A_97, %min3A_99 : vector<16xi32>
          %convert_element_type3A_101 = arith.fptosi %mul3A_78 : vector<16xf32> to vector<16xi32>
          %convert_element_type3A_102 = arith.sitofp %convert_element_type3A_101 : vector<16xi32> to vector<16xf32>
          %lt3A_103 = arith.cmpf olt, %mul3A_78, %convert_element_type3A_102 : vector<16xf32>
          %sub3A_104 = arith.constant 1.000000e+00 : f32
          %sub3A_105 = vector.broadcast %sub3A_104 : f32 to vector<16xf32>
          %sub3A_106 = arith.subf %convert_element_type3A_102, %sub3A_105 : vector<16xf32>
          %select_n3A_107 = arith.select %lt3A_103, %sub3A_106, %convert_element_type3A_102 : vector<16xi1>, vector<16xf32>
          %sub3A_108 = arith.subf %mul3A_78, %select_n3A_107 : vector<16xf32>
          %max3A_109 = arith.constant 0 : i32
          %max3A_110 = vector.broadcast %max3A_109 : i32 to vector<16xi32>
          %max3A_111 = arith.maxsi %convert_element_type3A_101, %max3A_110 : vector<16xi32>
          %min3A_112 = arith.constant 510 : i32
          %min3A_113 = vector.broadcast %min3A_112 : i32 to vector<16xi32>
          %min3A_114 = arith.minsi %max3A_111, %min3A_113 : vector<16xi32>
          %convert_element_type3A_115 = arith.fptosi %mul3A_89 : vector<16xf32> to vector<16xi32>
          %convert_element_type3A_116 = arith.sitofp %convert_element_type3A_115 : vector<16xi32> to vector<16xf32>
          %lt3A_117 = arith.cmpf olt, %mul3A_89, %convert_element_type3A_116 : vector<16xf32>
          %sub3A_118 = arith.constant 1.000000e+00 : f32
          %sub3A_119 = vector.broadcast %sub3A_118 : f32 to vector<16xf32>
          %sub3A_120 = arith.subf %convert_element_type3A_116, %sub3A_119 : vector<16xf32>
          %select_n3A_121 = arith.select %lt3A_117, %sub3A_120, %convert_element_type3A_116 : vector<16xi1>, vector<16xf32>
          %sub3A_122 = arith.subf %mul3A_89, %select_n3A_121 : vector<16xf32>
          %max3A_123 = arith.constant 0 : i32
          %max3A_124 = vector.broadcast %max3A_123 : i32 to vector<16xi32>
          %max3A_125 = arith.maxsi %convert_element_type3A_115, %max3A_124 : vector<16xi32>
          %min3A_126 = arith.constant 510 : i32
          %min3A_127 = vector.broadcast %min3A_126 : i32 to vector<16xi32>
          %min3A_128 = arith.minsi %max3A_125, %min3A_127 : vector<16xi32>
          %mul3A_129 = arith.constant 16 : i32
          %mul3A_130 = arith.muli %scan3A_48, %mul3A_129 : i32
          %mul3A_131 = arith.constant 64 : i32
          %mul3A_132 = vector.broadcast %mul3A_131 : i32 to vector<16xi32>
          %mul3A_133 = arith.muli %min3A_100, %mul3A_132 : vector<16xi32>
          %shift_right_arithmetic3A = arith.constant 3 : i32
          %shift_right_arithmetic3A_134 = vector.broadcast %shift_right_arithmetic3A : i32 to vector<16xi32>
          %shift_right_arithmetic3A_135 = arith.shrsi %min3A_114, %shift_right_arithmetic3A_134 : vector<16xi32>
          %add3A_136 = arith.addi %mul3A_133, %shift_right_arithmetic3A_135 : vector<16xi32>
          %swap3A = arith.index_cast %mul3A_130 : i32 to index
          %swap3A_137 = tpu.vector_load %arg6[%swap3A] {strides = array<i32>} : memref<128xi32, #tpu.memory_space<vmem>>, vector<16xi32>,
          tpu.vector_store %arg6[%swap3A], %add3A_136 {strides = array<i32>} : memref<128xi32, #tpu.memory_space<vmem>>, vector<16xi32>,
          %mul3A_138 = arith.constant 64 : i32
          %mul3A_139 = vector.broadcast %mul3A_138 : i32 to vector<16xi32>
          %mul3A_140 = arith.muli %min3A_114, %mul3A_139 : vector<16xi32>
          %shift_right_arithmetic3A_141 = arith.constant 3 : i32
          %shift_right_arithmetic3A_142 = vector.broadcast %shift_right_arithmetic3A_141 : i32 to vector<16xi32>
          %shift_right_arithmetic3A_143 = arith.shrsi %min3A_128, %shift_right_arithmetic3A_142 : vector<16xi32>
          %add3A_144 = arith.addi %mul3A_140, %shift_right_arithmetic3A_143 : vector<16xi32>
          %add3A_145 = arith.constant 65536 : i32
          %add3A_146 = vector.broadcast %add3A_145 : i32 to vector<16xi32>
          %add3A_147 = arith.addi %add3A_144, %add3A_146 : vector<16xi32>
          %swap3A_148 = arith.index_cast %mul3A_130 : i32 to index
          %swap3A_149 = tpu.vector_load %arg7[%swap3A_148] {strides = array<i32>} : memref<128xi32, #tpu.memory_space<vmem>>, vector<16xi32>,
          tpu.vector_store %arg7[%swap3A_148], %add3A_147 {strides = array<i32>} : memref<128xi32, #tpu.memory_space<vmem>>, vector<16xi32>,
          %mul3A_150 = arith.constant 64 : i32
          %mul3A_151 = vector.broadcast %mul3A_150 : i32 to vector<16xi32>
          %mul3A_152 = arith.muli %min3A_128, %mul3A_151 : vector<16xi32>
          %shift_right_arithmetic3A_153 = arith.constant 3 : i32
          %shift_right_arithmetic3A_154 = vector.broadcast %shift_right_arithmetic3A_153 : i32 to vector<16xi32>
          %shift_right_arithmetic3A_155 = arith.shrsi %min3A_100, %shift_right_arithmetic3A_154 : vector<16xi32>
          %add3A_156 = arith.addi %mul3A_152, %shift_right_arithmetic3A_155 : vector<16xi32>
          %add3A_157 = arith.constant 32768 : i32
          %add3A_158 = vector.broadcast %add3A_157 : i32 to vector<16xi32>
          %add3A_159 = arith.addi %add3A_156, %add3A_158 : vector<16xi32>
          %swap3A_160 = arith.index_cast %mul3A_130 : i32 to index
          %swap3A_161 = tpu.vector_load %arg8[%swap3A_160] {strides = array<i32>} : memref<128xi32, #tpu.memory_space<vmem>>, vector<16xi32>,
          tpu.vector_store %arg8[%swap3A_160], %add3A_159 {strides = array<i32>} : memref<128xi32, #tpu.memory_space<vmem>>, vector<16xi32>,
          %and3A = arith.constant 7 : i32
          %and3A_162 = vector.broadcast %and3A : i32 to vector<16xi32>
          %and3A_163 = arith.andi %min3A_114, %and3A_162 : vector<16xi32>
          %mul3A_164 = arith.constant 16 : i32
          %mul3A_165 = vector.broadcast %mul3A_164 : i32 to vector<16xi32>
          %mul3A_166 = arith.muli %and3A_163, %mul3A_165 : vector<16xi32>
          %swap3A_167 = arith.index_cast %mul3A_130 : i32 to index
          %swap3A_168 = tpu.vector_load %arg12[%swap3A_167] {strides = array<i32>} : memref<128xi32, #tpu.memory_space<vmem>>, vector<16xi32>,
          tpu.vector_store %arg12[%swap3A_167], %mul3A_166 {strides = array<i32>} : memref<128xi32, #tpu.memory_space<vmem>>, vector<16xi32>,
          %and3A_169 = arith.constant 7 : i32
          %and3A_170 = vector.broadcast %and3A_169 : i32 to vector<16xi32>
          %and3A_171 = arith.andi %min3A_128, %and3A_170 : vector<16xi32>
          %mul3A_172 = arith.constant 16 : i32
          %mul3A_173 = vector.broadcast %mul3A_172 : i32 to vector<16xi32>
          %mul3A_174 = arith.muli %and3A_171, %mul3A_173 : vector<16xi32>
          %swap3A_175 = arith.index_cast %mul3A_130 : i32 to index
          %swap3A_176 = tpu.vector_load %arg13[%swap3A_175] {strides = array<i32>} : memref<128xi32, #tpu.memory_space<vmem>>, vector<16xi32>,
          tpu.vector_store %arg13[%swap3A_175], %mul3A_174 {strides = array<i32>} : memref<128xi32, #tpu.memory_space<vmem>>, vector<16xi32>,
          %and3A_177 = arith.constant 7 : i32
          %and3A_178 = vector.broadcast %and3A_177 : i32 to vector<16xi32>
          %and3A_179 = arith.andi %min3A_100, %and3A_178 : vector<16xi32>
          %mul3A_180 = arith.constant 16 : i32
          %mul3A_181 = vector.broadcast %mul3A_180 : i32 to vector<16xi32>
          %mul3A_182 = arith.muli %and3A_179, %mul3A_181 : vector<16xi32>
          %swap3A_183 = arith.index_cast %mul3A_130 : i32 to index
          %swap3A_184 = tpu.vector_load %arg14[%swap3A_183] {strides = array<i32>} : memref<128xi32, #tpu.memory_space<vmem>>, vector<16xi32>,
          tpu.vector_store %arg14[%swap3A_183], %mul3A_182 {strides = array<i32>} : memref<128xi32, #tpu.memory_space<vmem>>, vector<16xi32>,
          %swap3A_185 = arith.index_cast %mul3A_130 : i32 to index
          %swap3A_186 = tpu.vector_load %arg9[%swap3A_185] {strides = array<i32>} : memref<128xf32, #tpu.memory_space<vmem>>, vector<16xf32>,
          tpu.vector_store %arg9[%swap3A_185], %sub3A_95 {strides = array<i32>} : memref<128xf32, #tpu.memory_space<vmem>>, vector<16xf32>,
          %swap3A_187 = arith.index_cast %mul3A_130 : i32 to index
          %swap3A_188 = tpu.vector_load %arg10[%swap3A_187] {strides = array<i32>} : memref<128xf32, #tpu.memory_space<vmem>>, vector<16xf32>,
          tpu.vector_store %arg10[%swap3A_187], %sub3A_108 {strides = array<i32>} : memref<128xf32, #tpu.memory_space<vmem>>, vector<16xf32>,
          %swap3A_189 = arith.index_cast %mul3A_130 : i32 to index
          %swap3A_190 = tpu.vector_load %arg11[%swap3A_189] {strides = array<i32>} : memref<128xf32, #tpu.memory_space<vmem>>, vector<16xf32>,
          tpu.vector_store %arg11[%swap3A_189], %sub3A_122 {strides = array<i32>} : memref<128xf32, #tpu.memory_space<vmem>>, vector<16xf32>,
          %scan3A_191 = arith.constant 0 : i32
          scf.yield %scan3A_191 : i32
        }
        %scan3A_24 = arith.constant 8 : i32
        %dma_start3A = arith.constant 0 : i32
        %dma_start3A_25 = arith.constant 0 : i32
        %dma_start3A_26 = tpu.memref_slice %arg3[%dma_start3A, %dma_start3A_25] : memref<98304x128xf32, #tpu.memory_space<hbm>> -> memref<98304x128xf32, #tpu.memory_space<hbm>>
        tpu.enqueue_indirect_dma source(%dma_start3A_26 : memref<98304x128xf32, #tpu.memory_space<hbm>>) target(%arg15 : memref<128x128xf32, #tpu.memory_space<vmem>>) offsets(%arg6 : memref<128xi32, #tpu.memory_space<vmem>>) semaphore(%arg19 : memref<!tpu.dma_semaphore, #tpu.memory_space<semaphore_mem>>)
        %dma_start3A_27 = arith.constant 0 : i32
        %dma_start3A_28 = arith.constant 0 : i32
        %dma_start3A_29 = tpu.memref_slice %arg3[%dma_start3A_27, %dma_start3A_28] : memref<98304x128xf32, #tpu.memory_space<hbm>> -> memref<98304x128xf32, #tpu.memory_space<hbm>>
        tpu.enqueue_indirect_dma source(%dma_start3A_29 : memref<98304x128xf32, #tpu.memory_space<hbm>>) target(%arg16 : memref<128x128xf32, #tpu.memory_space<vmem>>) offsets(%arg7 : memref<128xi32, #tpu.memory_space<vmem>>) semaphore(%arg19 : memref<!tpu.dma_semaphore, #tpu.memory_space<semaphore_mem>>)
        %dma_start3A_30 = arith.constant 0 : i32
        %dma_start3A_31 = arith.constant 0 : i32
        %dma_start3A_32 = tpu.memref_slice %arg3[%dma_start3A_30, %dma_start3A_31] : memref<98304x128xf32, #tpu.memory_space<hbm>> -> memref<98304x128xf32, #tpu.memory_space<hbm>>
        tpu.enqueue_indirect_dma source(%dma_start3A_32 : memref<98304x128xf32, #tpu.memory_space<hbm>>) target(%arg17 : memref<128x128xf32, #tpu.memory_space<vmem>>) offsets(%arg8 : memref<128xi32, #tpu.memory_space<vmem>>) semaphore(%arg19 : memref<!tpu.dma_semaphore, #tpu.memory_space<semaphore_mem>>)
        %dma_wait3A = arith.constant 0 : i32
        %dma_wait3A_33 = arith.constant 0 : i32
        %dma_wait3A_34 = tpu.memref_slice %arg3[%dma_wait3A, %dma_wait3A_33] : memref<98304x128xf32, #tpu.memory_space<hbm>> -> memref<98304x128xf32, #tpu.memory_space<hbm>>
        tpu.wait_indirect_dma semaphore(%arg19 : memref<!tpu.dma_semaphore, #tpu.memory_space<semaphore_mem>>) src(%dma_wait3A_34 : memref<98304x128xf32, #tpu.memory_space<hbm>>) dst(%arg15 : memref<128x128xf32, #tpu.memory_space<vmem>>)
        %dma_wait3A_35 = arith.constant 0 : i32
        %dma_wait3A_36 = arith.constant 0 : i32
        %dma_wait3A_37 = tpu.memref_slice %arg3[%dma_wait3A_35, %dma_wait3A_36] : memref<98304x128xf32, #tpu.memory_space<hbm>> -> memref<98304x128xf32, #tpu.memory_space<hbm>>
        tpu.wait_indirect_dma semaphore(%arg19 : memref<!tpu.dma_semaphore, #tpu.memory_space<semaphore_mem>>) src(%dma_wait3A_37 : memref<98304x128xf32, #tpu.memory_space<hbm>>) dst(%arg16 : memref<128x128xf32, #tpu.memory_space<vmem>>)
        %dma_wait3A_38 = arith.constant 0 : i32
        %dma_wait3A_39 = arith.constant 0 : i32
        %dma_wait3A_40 = tpu.memref_slice %arg3[%dma_wait3A_38, %dma_wait3A_39] : memref<98304x128xf32, #tpu.memory_space<hbm>> -> memref<98304x128xf32, #tpu.memory_space<hbm>>
        tpu.wait_indirect_dma semaphore(%arg19 : memref<!tpu.dma_semaphore, #tpu.memory_space<semaphore_mem>>) src(%dma_wait3A_40 : memref<98304x128xf32, #tpu.memory_space<hbm>>) dst(%arg17 : memref<128x128xf32, #tpu.memory_space<vmem>>)
        %scan3A_41 = arith.constant 0 : i32
        %scan3A_42 = arith.constant 0 : i32
        %scan3A_43 = arith.constant 8 : i32
        %scan3A_44 = arith.addi %scan3A_42, %scan3A_43 : i32
        %scan3A_45 = arith.constant 1 : i32
        %scan3A_46 = scf.for %scan3A_48 = %scan3A_42 to %scan3A_44 step %scan3A_45 iter_args(%scan3A_49 = %scan3A_41) -> (i32)  : i32 {
          %mul3A_50 = arith.constant 16 : i32
          %mul3A_51 = arith.muli %scan3A_48, %mul3A_50 : i32
          %add3A_52 = vector.broadcast %mul3A_51 : i32 to vector<16xi32>
          %add3A_53 = arith.addi %add3A_52, %iota3A : vector<16xi32>
          %mul3A_54 = arith.constant 16 : i32
          %mul3A_55 = arith.muli %scan3A_48, %mul3A_54 : i32
          %get3A = arith.index_cast %mul3A_55 : i32 to index
          %get3A_56 = tpu.vector_load %arg9[%get3A] {strides = array<i32>} : memref<128xf32, #tpu.memory_space<vmem>>, vector<16xf32>,
          %get3A_57 = arith.index_cast %mul3A_55 : i32 to index
          %get3A_58 = tpu.vector_load %arg10[%get3A_57] {strides = array<i32>} : memref<128xf32, #tpu.memory_space<vmem>>, vector<16xf32>,
          %get3A_59 = arith.index_cast %mul3A_55 : i32 to index
          %get3A_60 = tpu.vector_load %arg11[%get3A_59] {strides = array<i32>} : memref<128xf32, #tpu.memory_space<vmem>>, vector<16xf32>,
          %get3A_61 = arith.index_cast %mul3A_55 : i32 to index
          %get3A_62 = tpu.vector_load %arg12[%get3A_61] {strides = array<i32>} : memref<128xi32, #tpu.memory_space<vmem>>, vector<16xi32>,
          %get3A_63 = arith.index_cast %mul3A_55 : i32 to index
          %get3A_64 = tpu.vector_load %arg13[%get3A_63] {strides = array<i32>} : memref<128xi32, #tpu.memory_space<vmem>>, vector<16xi32>,
          %get3A_65 = arith.index_cast %mul3A_55 : i32 to index
          %get3A_66 = tpu.vector_load %arg14[%get3A_65] {strides = array<i32>} : memref<128xi32, #tpu.memory_space<vmem>>, vector<16xi32>,
          %sub3A = arith.constant 1.000000e+00 : f32
          %sub3A_67 = vector.broadcast %sub3A : f32 to vector<16xf32>
          %sub3A_68 = arith.subf %sub3A_67, %get3A_56 : vector<16xf32>
          %sub3A_69 = arith.constant 1.000000e+00 : f32
          %sub3A_70 = vector.broadcast %sub3A_69 : f32 to vector<16xf32>
          %sub3A_71 = arith.subf %sub3A_70, %get3A_58 : vector<16xf32>
          %mul3A_72 = arith.mulf %sub3A_68, %sub3A_71 : vector<16xf32>
          %mul3A_73 = arith.mulf %sub3A_68, %get3A_58 : vector<16xf32>
          %mul3A_74 = arith.mulf %get3A_56, %sub3A_71 : vector<16xf32>
          %mul3A_75 = arith.mulf %get3A_56, %get3A_58 : vector<16xf32>
          %add3A_76 = arith.constant 0 : i32
          %add3A_77 = vector.broadcast %add3A_76 : i32 to vector<16xi32>
          %add3A_78 = arith.addi %get3A_62, %add3A_77 : vector<16xi32>
          %gather3A = tpu.vector_load_idx %arg15[%add3A_53, %add3A_78] : memref<128x128xf32, #tpu.memory_space<vmem>>[vector<16xi32>, vector<16xi32>], vector<16xf32>,
          %add3A_79 = arith.constant 4 : i32
          %add3A_80 = vector.broadcast %add3A_79 : i32 to vector<16xi32>
          %add3A_81 = arith.addi %get3A_62, %add3A_80 : vector<16xi32>
          %gather3A_82 = tpu.vector_load_idx %arg15[%add3A_53, %add3A_81] : memref<128x128xf32, #tpu.memory_space<vmem>>[vector<16xi32>, vector<16xi32>], vector<16xf32>,
          %add3A_83 = arith.constant 8 : i32
          %add3A_84 = vector.broadcast %add3A_83 : i32 to vector<16xi32>
          %add3A_85 = arith.addi %get3A_62, %add3A_84 : vector<16xi32>
          %gather3A_86 = tpu.vector_load_idx %arg15[%add3A_53, %add3A_85] : memref<128x128xf32, #tpu.memory_space<vmem>>[vector<16xi32>, vector<16xi32>], vector<16xf32>,
          %add3A_87 = arith.constant 12 : i32
          %add3A_88 = vector.broadcast %add3A_87 : i32 to vector<16xi32>
          %add3A_89 = arith.addi %get3A_62, %add3A_88 : vector<16xi32>
          %gather3A_90 = tpu.vector_load_idx %arg15[%add3A_53, %add3A_89] : memref<128x128xf32, #tpu.memory_space<vmem>>[vector<16xi32>, vector<16xi32>], vector<16xf32>,
          %mul3A_91 = arith.mulf %mul3A_72, %gather3A : vector<16xf32>
          %mul3A_92 = arith.mulf %mul3A_74, %gather3A_86 : vector<16xf32>
          %add3A_93 = arith.addf %mul3A_91, %mul3A_92 : vector<16xf32>
          %mul3A_94 = arith.mulf %mul3A_73, %gather3A_82 : vector<16xf32>
          %add3A_95 = arith.addf %add3A_93, %mul3A_94 : vector<16xf32>
          %mul3A_96 = arith.mulf %mul3A_75, %gather3A_90 : vector<16xf32>
          %add3A_97 = arith.addf %add3A_95, %mul3A_96 : vector<16xf32>
          %broadcast_in_dim3A = arith.constant 0 : i32
          %broadcast_in_dim3A_98 = vector.broadcast %broadcast_in_dim3A : i32 to vector<16xi32>
          tpu.vector_store_idx %arg18[%add3A_53, %broadcast_in_dim3A_98], %add3A_97 : memref<128x12xf32, #tpu.memory_space<vmem>>[vector<16xi32>, vector<16xi32>], vector<16xf32>,
          %add3A_99 = arith.constant 1 : i32
          %add3A_100 = vector.broadcast %add3A_99 : i32 to vector<16xi32>
          %add3A_101 = arith.addi %get3A_62, %add3A_100 : vector<16xi32>
          %gather3A_102 = tpu.vector_load_idx %arg15[%add3A_53, %add3A_101] : memref<128x128xf32, #tpu.memory_space<vmem>>[vector<16xi32>, vector<16xi32>], vector<16xf32>,
          %add3A_103 = arith.constant 5 : i32
          %add3A_104 = vector.broadcast %add3A_103 : i32 to vector<16xi32>
          %add3A_105 = arith.addi %get3A_62, %add3A_104 : vector<16xi32>
          %gather3A_106 = tpu.vector_load_idx %arg15[%add3A_53, %add3A_105] : memref<128x128xf32, #tpu.memory_space<vmem>>[vector<16xi32>, vector<16xi32>], vector<16xf32>,
          %add3A_107 = arith.constant 9 : i32
          %add3A_108 = vector.broadcast %add3A_107 : i32 to vector<16xi32>
          %add3A_109 = arith.addi %get3A_62, %add3A_108 : vector<16xi32>
          %gather3A_110 = tpu.vector_load_idx %arg15[%add3A_53, %add3A_109] : memref<128x128xf32, #tpu.memory_space<vmem>>[vector<16xi32>, vector<16xi32>], vector<16xf32>,
          %add3A_111 = arith.constant 13 : i32
          %add3A_112 = vector.broadcast %add3A_111 : i32 to vector<16xi32>
          %add3A_113 = arith.addi %get3A_62, %add3A_112 : vector<16xi32>
          %gather3A_114 = tpu.vector_load_idx %arg15[%add3A_53, %add3A_113] : memref<128x128xf32, #tpu.memory_space<vmem>>[vector<16xi32>, vector<16xi32>], vector<16xf32>,
          %mul3A_115 = arith.mulf %mul3A_72, %gather3A_102 : vector<16xf32>
          %mul3A_116 = arith.mulf %mul3A_74, %gather3A_110 : vector<16xf32>
          %add3A_117 = arith.addf %mul3A_115, %mul3A_116 : vector<16xf32>
          %mul3A_118 = arith.mulf %mul3A_73, %gather3A_106 : vector<16xf32>
          %add3A_119 = arith.addf %add3A_117, %mul3A_118 : vector<16xf32>
          %mul3A_120 = arith.mulf %mul3A_75, %gather3A_114 : vector<16xf32>
          %add3A_121 = arith.addf %add3A_119, %mul3A_120 : vector<16xf32>
          %broadcast_in_dim3A_122 = arith.constant 1 : i32
          %broadcast_in_dim3A_123 = vector.broadcast %broadcast_in_dim3A_122 : i32 to vector<16xi32>
          tpu.vector_store_idx %arg18[%add3A_53, %broadcast_in_dim3A_123], %add3A_121 : memref<128x12xf32, #tpu.memory_space<vmem>>[vector<16xi32>, vector<16xi32>], vector<16xf32>,
          %add3A_124 = arith.constant 2 : i32
          %add3A_125 = vector.broadcast %add3A_124 : i32 to vector<16xi32>
          %add3A_126 = arith.addi %get3A_62, %add3A_125 : vector<16xi32>
          %gather3A_127 = tpu.vector_load_idx %arg15[%add3A_53, %add3A_126] : memref<128x128xf32, #tpu.memory_space<vmem>>[vector<16xi32>, vector<16xi32>], vector<16xf32>,
          %add3A_128 = arith.constant 6 : i32
          %add3A_129 = vector.broadcast %add3A_128 : i32 to vector<16xi32>
          %add3A_130 = arith.addi %get3A_62, %add3A_129 : vector<16xi32>
          %gather3A_131 = tpu.vector_load_idx %arg15[%add3A_53, %add3A_130] : memref<128x128xf32, #tpu.memory_space<vmem>>[vector<16xi32>, vector<16xi32>], vector<16xf32>,
          %add3A_132 = arith.constant 10 : i32
          %add3A_133 = vector.broadcast %add3A_132 : i32 to vector<16xi32>
          %add3A_134 = arith.addi %get3A_62, %add3A_133 : vector<16xi32>
          %gather3A_135 = tpu.vector_load_idx %arg15[%add3A_53, %add3A_134] : memref<128x128xf32, #tpu.memory_space<vmem>>[vector<16xi32>, vector<16xi32>], vector<16xf32>,
          %add3A_136 = arith.constant 14 : i32
          %add3A_137 = vector.broadcast %add3A_136 : i32 to vector<16xi32>
          %add3A_138 = arith.addi %get3A_62, %add3A_137 : vector<16xi32>
          %gather3A_139 = tpu.vector_load_idx %arg15[%add3A_53, %add3A_138] : memref<128x128xf32, #tpu.memory_space<vmem>>[vector<16xi32>, vector<16xi32>], vector<16xf32>,
          %mul3A_140 = arith.mulf %mul3A_72, %gather3A_127 : vector<16xf32>
          %mul3A_141 = arith.mulf %mul3A_74, %gather3A_135 : vector<16xf32>
          %add3A_142 = arith.addf %mul3A_140, %mul3A_141 : vector<16xf32>
          %mul3A_143 = arith.mulf %mul3A_73, %gather3A_131 : vector<16xf32>
          %add3A_144 = arith.addf %add3A_142, %mul3A_143 : vector<16xf32>
          %mul3A_145 = arith.mulf %mul3A_75, %gather3A_139 : vector<16xf32>
          %add3A_146 = arith.addf %add3A_144, %mul3A_145 : vector<16xf32>
          %broadcast_in_dim3A_147 = arith.constant 2 : i32
          %broadcast_in_dim3A_148 = vector.broadcast %broadcast_in_dim3A_147 : i32 to vector<16xi32>
          tpu.vector_store_idx %arg18[%add3A_53, %broadcast_in_dim3A_148], %add3A_146 : memref<128x12xf32, #tpu.memory_space<vmem>>[vector<16xi32>, vector<16xi32>], vector<16xf32>,
          %add3A_149 = arith.constant 3 : i32
          %add3A_150 = vector.broadcast %add3A_149 : i32 to vector<16xi32>
          %add3A_151 = arith.addi %get3A_62, %add3A_150 : vector<16xi32>
          %gather3A_152 = tpu.vector_load_idx %arg15[%add3A_53, %add3A_151] : memref<128x128xf32, #tpu.memory_space<vmem>>[vector<16xi32>, vector<16xi32>], vector<16xf32>,
          %add3A_153 = arith.constant 7 : i32
          %add3A_154 = vector.broadcast %add3A_153 : i32 to vector<16xi32>
          %add3A_155 = arith.addi %get3A_62, %add3A_154 : vector<16xi32>
          %gather3A_156 = tpu.vector_load_idx %arg15[%add3A_53, %add3A_155] : memref<128x128xf32, #tpu.memory_space<vmem>>[vector<16xi32>, vector<16xi32>], vector<16xf32>,
          %add3A_157 = arith.constant 11 : i32
          %add3A_158 = vector.broadcast %add3A_157 : i32 to vector<16xi32>
          %add3A_159 = arith.addi %get3A_62, %add3A_158 : vector<16xi32>
          %gather3A_160 = tpu.vector_load_idx %arg15[%add3A_53, %add3A_159] : memref<128x128xf32, #tpu.memory_space<vmem>>[vector<16xi32>, vector<16xi32>], vector<16xf32>,
          %add3A_161 = arith.constant 15 : i32
          %add3A_162 = vector.broadcast %add3A_161 : i32 to vector<16xi32>
          %add3A_163 = arith.addi %get3A_62, %add3A_162 : vector<16xi32>
          %gather3A_164 = tpu.vector_load_idx %arg15[%add3A_53, %add3A_163] : memref<128x128xf32, #tpu.memory_space<vmem>>[vector<16xi32>, vector<16xi32>], vector<16xf32>,
          %mul3A_165 = arith.mulf %mul3A_72, %gather3A_152 : vector<16xf32>
          %mul3A_166 = arith.mulf %mul3A_74, %gather3A_160 : vector<16xf32>
          %add3A_167 = arith.addf %mul3A_165, %mul3A_166 : vector<16xf32>
          %mul3A_168 = arith.mulf %mul3A_73, %gather3A_156 : vector<16xf32>
          %add3A_169 = arith.addf %add3A_167, %mul3A_168 : vector<16xf32>
          %mul3A_170 = arith.mulf %mul3A_75, %gather3A_164 : vector<16xf32>
          %add3A_171 = arith.addf %add3A_169, %mul3A_170 : vector<16xf32>
          %broadcast_in_dim3A_172 = arith.constant 3 : i32
          %broadcast_in_dim3A_173 = vector.broadcast %broadcast_in_dim3A_172 : i32 to vector<16xi32>
          tpu.vector_store_idx %arg18[%add3A_53, %broadcast_in_dim3A_173], %add3A_171 : memref<128x12xf32, #tpu.memory_space<vmem>>[vector<16xi32>, vector<16xi32>], vector<16xf32>,
          %sub3A_174 = arith.constant 1.000000e+00 : f32
          %sub3A_175 = vector.broadcast %sub3A_174 : f32 to vector<16xf32>
          %sub3A_176 = arith.subf %sub3A_175, %get3A_58 : vector<16xf32>
          %sub3A_177 = arith.constant 1.000000e+00 : f32
          %sub3A_178 = vector.broadcast %sub3A_177 : f32 to vector<16xf32>
          %sub3A_179 = arith.subf %sub3A_178, %get3A_60 : vector<16xf32>
          %mul3A_180 = arith.mulf %sub3A_176, %sub3A_179 : vector<16xf32>
          %mul3A_181 = arith.mulf %sub3A_176, %get3A_60 : vector<16xf32>
          %mul3A_182 = arith.mulf %get3A_58, %sub3A_179 : vector<16xf32>
          %mul3A_183 = arith.mulf %get3A_58, %get3A_60 : vector<16xf32>
          %add3A_184 = arith.constant 0 : i32
          %add3A_185 = vector.broadcast %add3A_184 : i32 to vector<16xi32>
          %add3A_186 = arith.addi %get3A_64, %add3A_185 : vector<16xi32>
          %gather3A_187 = tpu.vector_load_idx %arg16[%add3A_53, %add3A_186] : memref<128x128xf32, #tpu.memory_space<vmem>>[vector<16xi32>, vector<16xi32>], vector<16xf32>,
          %add3A_188 = arith.constant 4 : i32
          %add3A_189 = vector.broadcast %add3A_188 : i32 to vector<16xi32>
          %add3A_190 = arith.addi %get3A_64, %add3A_189 : vector<16xi32>
          %gather3A_191 = tpu.vector_load_idx %arg16[%add3A_53, %add3A_190] : memref<128x128xf32, #tpu.memory_space<vmem>>[vector<16xi32>, vector<16xi32>], vector<16xf32>,
          %add3A_192 = arith.constant 8 : i32
          %add3A_193 = vector.broadcast %add3A_192 : i32 to vector<16xi32>
          %add3A_194 = arith.addi %get3A_64, %add3A_193 : vector<16xi32>
          %gather3A_195 = tpu.vector_load_idx %arg16[%add3A_53, %add3A_194] : memref<128x128xf32, #tpu.memory_space<vmem>>[vector<16xi32>, vector<16xi32>], vector<16xf32>,
          %add3A_196 = arith.constant 12 : i32
          %add3A_197 = vector.broadcast %add3A_196 : i32 to vector<16xi32>
          %add3A_198 = arith.addi %get3A_64, %add3A_197 : vector<16xi32>
          %gather3A_199 = tpu.vector_load_idx %arg16[%add3A_53, %add3A_198] : memref<128x128xf32, #tpu.memory_space<vmem>>[vector<16xi32>, vector<16xi32>], vector<16xf32>,
          %mul3A_200 = arith.mulf %mul3A_180, %gather3A_187 : vector<16xf32>
          %mul3A_201 = arith.mulf %mul3A_182, %gather3A_195 : vector<16xf32>
          %add3A_202 = arith.addf %mul3A_200, %mul3A_201 : vector<16xf32>
          %mul3A_203 = arith.mulf %mul3A_181, %gather3A_191 : vector<16xf32>
          %add3A_204 = arith.addf %add3A_202, %mul3A_203 : vector<16xf32>
          %mul3A_205 = arith.mulf %mul3A_183, %gather3A_199 : vector<16xf32>
          %add3A_206 = arith.addf %add3A_204, %mul3A_205 : vector<16xf32>
          %broadcast_in_dim3A_207 = arith.constant 4 : i32
          %broadcast_in_dim3A_208 = vector.broadcast %broadcast_in_dim3A_207 : i32 to vector<16xi32>
          tpu.vector_store_idx %arg18[%add3A_53, %broadcast_in_dim3A_208], %add3A_206 : memref<128x12xf32, #tpu.memory_space<vmem>>[vector<16xi32>, vector<16xi32>], vector<16xf32>,
          %add3A_209 = arith.constant 1 : i32
          %add3A_210 = vector.broadcast %add3A_209 : i32 to vector<16xi32>
          %add3A_211 = arith.addi %get3A_64, %add3A_210 : vector<16xi32>
          %gather3A_212 = tpu.vector_load_idx %arg16[%add3A_53, %add3A_211] : memref<128x128xf32, #tpu.memory_space<vmem>>[vector<16xi32>, vector<16xi32>], vector<16xf32>,
          %add3A_213 = arith.constant 5 : i32
          %add3A_214 = vector.broadcast %add3A_213 : i32 to vector<16xi32>
          %add3A_215 = arith.addi %get3A_64, %add3A_214 : vector<16xi32>
          %gather3A_216 = tpu.vector_load_idx %arg16[%add3A_53, %add3A_215] : memref<128x128xf32, #tpu.memory_space<vmem>>[vector<16xi32>, vector<16xi32>], vector<16xf32>,
          %add3A_217 = arith.constant 9 : i32
          %add3A_218 = vector.broadcast %add3A_217 : i32 to vector<16xi32>
          %add3A_219 = arith.addi %get3A_64, %add3A_218 : vector<16xi32>
          %gather3A_220 = tpu.vector_load_idx %arg16[%add3A_53, %add3A_219] : memref<128x128xf32, #tpu.memory_space<vmem>>[vector<16xi32>, vector<16xi32>], vector<16xf32>,
          %add3A_221 = arith.constant 13 : i32
          %add3A_222 = vector.broadcast %add3A_221 : i32 to vector<16xi32>
          %add3A_223 = arith.addi %get3A_64, %add3A_222 : vector<16xi32>
          %gather3A_224 = tpu.vector_load_idx %arg16[%add3A_53, %add3A_223] : memref<128x128xf32, #tpu.memory_space<vmem>>[vector<16xi32>, vector<16xi32>], vector<16xf32>,
          %mul3A_225 = arith.mulf %mul3A_180, %gather3A_212 : vector<16xf32>
          %mul3A_226 = arith.mulf %mul3A_182, %gather3A_220 : vector<16xf32>
          %add3A_227 = arith.addf %mul3A_225, %mul3A_226 : vector<16xf32>
          %mul3A_228 = arith.mulf %mul3A_181, %gather3A_216 : vector<16xf32>
          %add3A_229 = arith.addf %add3A_227, %mul3A_228 : vector<16xf32>
          %mul3A_230 = arith.mulf %mul3A_183, %gather3A_224 : vector<16xf32>
          %add3A_231 = arith.addf %add3A_229, %mul3A_230 : vector<16xf32>
          %broadcast_in_dim3A_232 = arith.constant 5 : i32
          %broadcast_in_dim3A_233 = vector.broadcast %broadcast_in_dim3A_232 : i32 to vector<16xi32>
          tpu.vector_store_idx %arg18[%add3A_53, %broadcast_in_dim3A_233], %add3A_231 : memref<128x12xf32, #tpu.memory_space<vmem>>[vector<16xi32>, vector<16xi32>], vector<16xf32>,
          %add3A_234 = arith.constant 2 : i32
          %add3A_235 = vector.broadcast %add3A_234 : i32 to vector<16xi32>
          %add3A_236 = arith.addi %get3A_64, %add3A_235 : vector<16xi32>
          %gather3A_237 = tpu.vector_load_idx %arg16[%add3A_53, %add3A_236] : memref<128x128xf32, #tpu.memory_space<vmem>>[vector<16xi32>, vector<16xi32>], vector<16xf32>,
          %add3A_238 = arith.constant 6 : i32
          %add3A_239 = vector.broadcast %add3A_238 : i32 to vector<16xi32>
          %add3A_240 = arith.addi %get3A_64, %add3A_239 : vector<16xi32>
          %gather3A_241 = tpu.vector_load_idx %arg16[%add3A_53, %add3A_240] : memref<128x128xf32, #tpu.memory_space<vmem>>[vector<16xi32>, vector<16xi32>], vector<16xf32>,
          %add3A_242 = arith.constant 10 : i32
          %add3A_243 = vector.broadcast %add3A_242 : i32 to vector<16xi32>
          %add3A_244 = arith.addi %get3A_64, %add3A_243 : vector<16xi32>
          %gather3A_245 = tpu.vector_load_idx %arg16[%add3A_53, %add3A_244] : memref<128x128xf32, #tpu.memory_space<vmem>>[vector<16xi32>, vector<16xi32>], vector<16xf32>,
          %add3A_246 = arith.constant 14 : i32
          %add3A_247 = vector.broadcast %add3A_246 : i32 to vector<16xi32>
          %add3A_248 = arith.addi %get3A_64, %add3A_247 : vector<16xi32>
          %gather3A_249 = tpu.vector_load_idx %arg16[%add3A_53, %add3A_248] : memref<128x128xf32, #tpu.memory_space<vmem>>[vector<16xi32>, vector<16xi32>], vector<16xf32>,
          %mul3A_250 = arith.mulf %mul3A_180, %gather3A_237 : vector<16xf32>
          %mul3A_251 = arith.mulf %mul3A_182, %gather3A_245 : vector<16xf32>
          %add3A_252 = arith.addf %mul3A_250, %mul3A_251 : vector<16xf32>
          %mul3A_253 = arith.mulf %mul3A_181, %gather3A_241 : vector<16xf32>
          %add3A_254 = arith.addf %add3A_252, %mul3A_253 : vector<16xf32>
          %mul3A_255 = arith.mulf %mul3A_183, %gather3A_249 : vector<16xf32>
          %add3A_256 = arith.addf %add3A_254, %mul3A_255 : vector<16xf32>
          %broadcast_in_dim3A_257 = arith.constant 6 : i32
          %broadcast_in_dim3A_258 = vector.broadcast %broadcast_in_dim3A_257 : i32 to vector<16xi32>
          tpu.vector_store_idx %arg18[%add3A_53, %broadcast_in_dim3A_258], %add3A_256 : memref<128x12xf32, #tpu.memory_space<vmem>>[vector<16xi32>, vector<16xi32>], vector<16xf32>,
          %add3A_259 = arith.constant 3 : i32
          %add3A_260 = vector.broadcast %add3A_259 : i32 to vector<16xi32>
          %add3A_261 = arith.addi %get3A_64, %add3A_260 : vector<16xi32>
          %gather3A_262 = tpu.vector_load_idx %arg16[%add3A_53, %add3A_261] : memref<128x128xf32, #tpu.memory_space<vmem>>[vector<16xi32>, vector<16xi32>], vector<16xf32>,
          %add3A_263 = arith.constant 7 : i32
          %add3A_264 = vector.broadcast %add3A_263 : i32 to vector<16xi32>
          %add3A_265 = arith.addi %get3A_64, %add3A_264 : vector<16xi32>
          %gather3A_266 = tpu.vector_load_idx %arg16[%add3A_53, %add3A_265] : memref<128x128xf32, #tpu.memory_space<vmem>>[vector<16xi32>, vector<16xi32>], vector<16xf32>,
          %add3A_267 = arith.constant 11 : i32
          %add3A_268 = vector.broadcast %add3A_267 : i32 to vector<16xi32>
          %add3A_269 = arith.addi %get3A_64, %add3A_268 : vector<16xi32>
          %gather3A_270 = tpu.vector_load_idx %arg16[%add3A_53, %add3A_269] : memref<128x128xf32, #tpu.memory_space<vmem>>[vector<16xi32>, vector<16xi32>], vector<16xf32>,
          %add3A_271 = arith.constant 15 : i32
          %add3A_272 = vector.broadcast %add3A_271 : i32 to vector<16xi32>
          %add3A_273 = arith.addi %get3A_64, %add3A_272 : vector<16xi32>
          %gather3A_274 = tpu.vector_load_idx %arg16[%add3A_53, %add3A_273] : memref<128x128xf32, #tpu.memory_space<vmem>>[vector<16xi32>, vector<16xi32>], vector<16xf32>,
          %mul3A_275 = arith.mulf %mul3A_180, %gather3A_262 : vector<16xf32>
          %mul3A_276 = arith.mulf %mul3A_182, %gather3A_270 : vector<16xf32>
          %add3A_277 = arith.addf %mul3A_275, %mul3A_276 : vector<16xf32>
          %mul3A_278 = arith.mulf %mul3A_181, %gather3A_266 : vector<16xf32>
          %add3A_279 = arith.addf %add3A_277, %mul3A_278 : vector<16xf32>
          %mul3A_280 = arith.mulf %mul3A_183, %gather3A_274 : vector<16xf32>
          %add3A_281 = arith.addf %add3A_279, %mul3A_280 : vector<16xf32>
          %broadcast_in_dim3A_282 = arith.constant 7 : i32
          %broadcast_in_dim3A_283 = vector.broadcast %broadcast_in_dim3A_282 : i32 to vector<16xi32>
          tpu.vector_store_idx %arg18[%add3A_53, %broadcast_in_dim3A_283], %add3A_281 : memref<128x12xf32, #tpu.memory_space<vmem>>[vector<16xi32>, vector<16xi32>], vector<16xf32>,
          %sub3A_284 = arith.constant 1.000000e+00 : f32
          %sub3A_285 = vector.broadcast %sub3A_284 : f32 to vector<16xf32>
          %sub3A_286 = arith.subf %sub3A_285, %get3A_60 : vector<16xf32>
          %sub3A_287 = arith.constant 1.000000e+00 : f32
          %sub3A_288 = vector.broadcast %sub3A_287 : f32 to vector<16xf32>
          %sub3A_289 = arith.subf %sub3A_288, %get3A_56 : vector<16xf32>
          %mul3A_290 = arith.mulf %sub3A_286, %sub3A_289 : vector<16xf32>
          %mul3A_291 = arith.mulf %sub3A_286, %get3A_56 : vector<16xf32>
          %mul3A_292 = arith.mulf %get3A_60, %sub3A_289 : vector<16xf32>
          %mul3A_293 = arith.mulf %get3A_60, %get3A_56 : vector<16xf32>
          %add3A_294 = arith.constant 0 : i32
          %add3A_295 = vector.broadcast %add3A_294 : i32 to vector<16xi32>
          %add3A_296 = arith.addi %get3A_66, %add3A_295 : vector<16xi32>
          %gather3A_297 = tpu.vector_load_idx %arg17[%add3A_53, %add3A_296] : memref<128x128xf32, #tpu.memory_space<vmem>>[vector<16xi32>, vector<16xi32>], vector<16xf32>,
          %add3A_298 = arith.constant 4 : i32
          %add3A_299 = vector.broadcast %add3A_298 : i32 to vector<16xi32>
          %add3A_300 = arith.addi %get3A_66, %add3A_299 : vector<16xi32>
          %gather3A_301 = tpu.vector_load_idx %arg17[%add3A_53, %add3A_300] : memref<128x128xf32, #tpu.memory_space<vmem>>[vector<16xi32>, vector<16xi32>], vector<16xf32>,
          %add3A_302 = arith.constant 8 : i32
          %add3A_303 = vector.broadcast %add3A_302 : i32 to vector<16xi32>
          %add3A_304 = arith.addi %get3A_66, %add3A_303 : vector<16xi32>
          %gather3A_305 = tpu.vector_load_idx %arg17[%add3A_53, %add3A_304] : memref<128x128xf32, #tpu.memory_space<vmem>>[vector<16xi32>, vector<16xi32>], vector<16xf32>,
          %add3A_306 = arith.constant 12 : i32
          %add3A_307 = vector.broadcast %add3A_306 : i32 to vector<16xi32>
          %add3A_308 = arith.addi %get3A_66, %add3A_307 : vector<16xi32>
          %gather3A_309 = tpu.vector_load_idx %arg17[%add3A_53, %add3A_308] : memref<128x128xf32, #tpu.memory_space<vmem>>[vector<16xi32>, vector<16xi32>], vector<16xf32>,
          %mul3A_310 = arith.mulf %mul3A_290, %gather3A_297 : vector<16xf32>
          %mul3A_311 = arith.mulf %mul3A_292, %gather3A_305 : vector<16xf32>
          %add3A_312 = arith.addf %mul3A_310, %mul3A_311 : vector<16xf32>
          %mul3A_313 = arith.mulf %mul3A_291, %gather3A_301 : vector<16xf32>
          %add3A_314 = arith.addf %add3A_312, %mul3A_313 : vector<16xf32>
          %mul3A_315 = arith.mulf %mul3A_293, %gather3A_309 : vector<16xf32>
          %add3A_316 = arith.addf %add3A_314, %mul3A_315 : vector<16xf32>
          %broadcast_in_dim3A_317 = arith.constant 8 : i32
          %broadcast_in_dim3A_318 = vector.broadcast %broadcast_in_dim3A_317 : i32 to vector<16xi32>
          tpu.vector_store_idx %arg18[%add3A_53, %broadcast_in_dim3A_318], %add3A_316 : memref<128x12xf32, #tpu.memory_space<vmem>>[vector<16xi32>, vector<16xi32>], vector<16xf32>,
          %add3A_319 = arith.constant 1 : i32
          %add3A_320 = vector.broadcast %add3A_319 : i32 to vector<16xi32>
          %add3A_321 = arith.addi %get3A_66, %add3A_320 : vector<16xi32>
          %gather3A_322 = tpu.vector_load_idx %arg17[%add3A_53, %add3A_321] : memref<128x128xf32, #tpu.memory_space<vmem>>[vector<16xi32>, vector<16xi32>], vector<16xf32>,
          %add3A_323 = arith.constant 5 : i32
          %add3A_324 = vector.broadcast %add3A_323 : i32 to vector<16xi32>
          %add3A_325 = arith.addi %get3A_66, %add3A_324 : vector<16xi32>
          %gather3A_326 = tpu.vector_load_idx %arg17[%add3A_53, %add3A_325] : memref<128x128xf32, #tpu.memory_space<vmem>>[vector<16xi32>, vector<16xi32>], vector<16xf32>,
          %add3A_327 = arith.constant 9 : i32
          %add3A_328 = vector.broadcast %add3A_327 : i32 to vector<16xi32>
          %add3A_329 = arith.addi %get3A_66, %add3A_328 : vector<16xi32>
          %gather3A_330 = tpu.vector_load_idx %arg17[%add3A_53, %add3A_329] : memref<128x128xf32, #tpu.memory_space<vmem>>[vector<16xi32>, vector<16xi32>], vector<16xf32>,
          %add3A_331 = arith.constant 13 : i32
          %add3A_332 = vector.broadcast %add3A_331 : i32 to vector<16xi32>
          %add3A_333 = arith.addi %get3A_66, %add3A_332 : vector<16xi32>
          %gather3A_334 = tpu.vector_load_idx %arg17[%add3A_53, %add3A_333] : memref<128x128xf32, #tpu.memory_space<vmem>>[vector<16xi32>, vector<16xi32>], vector<16xf32>,
          %mul3A_335 = arith.mulf %mul3A_290, %gather3A_322 : vector<16xf32>
          %mul3A_336 = arith.mulf %mul3A_292, %gather3A_330 : vector<16xf32>
          %add3A_337 = arith.addf %mul3A_335, %mul3A_336 : vector<16xf32>
          %mul3A_338 = arith.mulf %mul3A_291, %gather3A_326 : vector<16xf32>
          %add3A_339 = arith.addf %add3A_337, %mul3A_338 : vector<16xf32>
          %mul3A_340 = arith.mulf %mul3A_293, %gather3A_334 : vector<16xf32>
          %add3A_341 = arith.addf %add3A_339, %mul3A_340 : vector<16xf32>
          %broadcast_in_dim3A_342 = arith.constant 9 : i32
          %broadcast_in_dim3A_343 = vector.broadcast %broadcast_in_dim3A_342 : i32 to vector<16xi32>
          tpu.vector_store_idx %arg18[%add3A_53, %broadcast_in_dim3A_343], %add3A_341 : memref<128x12xf32, #tpu.memory_space<vmem>>[vector<16xi32>, vector<16xi32>], vector<16xf32>,
          %add3A_344 = arith.constant 2 : i32
          %add3A_345 = vector.broadcast %add3A_344 : i32 to vector<16xi32>
          %add3A_346 = arith.addi %get3A_66, %add3A_345 : vector<16xi32>
          %gather3A_347 = tpu.vector_load_idx %arg17[%add3A_53, %add3A_346] : memref<128x128xf32, #tpu.memory_space<vmem>>[vector<16xi32>, vector<16xi32>], vector<16xf32>,
          %add3A_348 = arith.constant 6 : i32
          %add3A_349 = vector.broadcast %add3A_348 : i32 to vector<16xi32>
          %add3A_350 = arith.addi %get3A_66, %add3A_349 : vector<16xi32>
          %gather3A_351 = tpu.vector_load_idx %arg17[%add3A_53, %add3A_350] : memref<128x128xf32, #tpu.memory_space<vmem>>[vector<16xi32>, vector<16xi32>], vector<16xf32>,
          %add3A_352 = arith.constant 10 : i32
          %add3A_353 = vector.broadcast %add3A_352 : i32 to vector<16xi32>
          %add3A_354 = arith.addi %get3A_66, %add3A_353 : vector<16xi32>
          %gather3A_355 = tpu.vector_load_idx %arg17[%add3A_53, %add3A_354] : memref<128x128xf32, #tpu.memory_space<vmem>>[vector<16xi32>, vector<16xi32>], vector<16xf32>,
          %add3A_356 = arith.constant 14 : i32
          %add3A_357 = vector.broadcast %add3A_356 : i32 to vector<16xi32>
          %add3A_358 = arith.addi %get3A_66, %add3A_357 : vector<16xi32>
          %gather3A_359 = tpu.vector_load_idx %arg17[%add3A_53, %add3A_358] : memref<128x128xf32, #tpu.memory_space<vmem>>[vector<16xi32>, vector<16xi32>], vector<16xf32>,
          %mul3A_360 = arith.mulf %mul3A_290, %gather3A_347 : vector<16xf32>
          %mul3A_361 = arith.mulf %mul3A_292, %gather3A_355 : vector<16xf32>
          %add3A_362 = arith.addf %mul3A_360, %mul3A_361 : vector<16xf32>
          %mul3A_363 = arith.mulf %mul3A_291, %gather3A_351 : vector<16xf32>
          %add3A_364 = arith.addf %add3A_362, %mul3A_363 : vector<16xf32>
          %mul3A_365 = arith.mulf %mul3A_293, %gather3A_359 : vector<16xf32>
          %add3A_366 = arith.addf %add3A_364, %mul3A_365 : vector<16xf32>
          %broadcast_in_dim3A_367 = arith.constant 10 : i32
          %broadcast_in_dim3A_368 = vector.broadcast %broadcast_in_dim3A_367 : i32 to vector<16xi32>
          tpu.vector_store_idx %arg18[%add3A_53, %broadcast_in_dim3A_368], %add3A_366 : memref<128x12xf32, #tpu.memory_space<vmem>>[vector<16xi32>, vector<16xi32>], vector<16xf32>,
          %add3A_369 = arith.constant 3 : i32
          %add3A_370 = vector.broadcast %add3A_369 : i32 to vector<16xi32>
          %add3A_371 = arith.addi %get3A_66, %add3A_370 : vector<16xi32>
          %gather3A_372 = tpu.vector_load_idx %arg17[%add3A_53, %add3A_371] : memref<128x128xf32, #tpu.memory_space<vmem>>[vector<16xi32>, vector<16xi32>], vector<16xf32>,
          %add3A_373 = arith.constant 7 : i32
          %add3A_374 = vector.broadcast %add3A_373 : i32 to vector<16xi32>
          %add3A_375 = arith.addi %get3A_66, %add3A_374 : vector<16xi32>
          %gather3A_376 = tpu.vector_load_idx %arg17[%add3A_53, %add3A_375] : memref<128x128xf32, #tpu.memory_space<vmem>>[vector<16xi32>, vector<16xi32>], vector<16xf32>,
          %add3A_377 = arith.constant 11 : i32
          %add3A_378 = vector.broadcast %add3A_377 : i32 to vector<16xi32>
          %add3A_379 = arith.addi %get3A_66, %add3A_378 : vector<16xi32>
          %gather3A_380 = tpu.vector_load_idx %arg17[%add3A_53, %add3A_379] : memref<128x128xf32, #tpu.memory_space<vmem>>[vector<16xi32>, vector<16xi32>], vector<16xf32>,
          %add3A_381 = arith.constant 15 : i32
          %add3A_382 = vector.broadcast %add3A_381 : i32 to vector<16xi32>
          %add3A_383 = arith.addi %get3A_66, %add3A_382 : vector<16xi32>
          %gather3A_384 = tpu.vector_load_idx %arg17[%add3A_53, %add3A_383] : memref<128x128xf32, #tpu.memory_space<vmem>>[vector<16xi32>, vector<16xi32>], vector<16xf32>,
          %mul3A_385 = arith.mulf %mul3A_290, %gather3A_372 : vector<16xf32>
          %mul3A_386 = arith.mulf %mul3A_292, %gather3A_380 : vector<16xf32>
          %add3A_387 = arith.addf %mul3A_385, %mul3A_386 : vector<16xf32>
          %mul3A_388 = arith.mulf %mul3A_291, %gather3A_376 : vector<16xf32>
          %add3A_389 = arith.addf %add3A_387, %mul3A_388 : vector<16xf32>
          %mul3A_390 = arith.mulf %mul3A_293, %gather3A_384 : vector<16xf32>
          %add3A_391 = arith.addf %add3A_389, %mul3A_390 : vector<16xf32>
          %broadcast_in_dim3A_392 = arith.constant 11 : i32
          %broadcast_in_dim3A_393 = vector.broadcast %broadcast_in_dim3A_392 : i32 to vector<16xi32>
          tpu.vector_store_idx %arg18[%add3A_53, %broadcast_in_dim3A_393], %add3A_391 : memref<128x12xf32, #tpu.memory_space<vmem>>[vector<16xi32>, vector<16xi32>], vector<16xf32>,
          %scan3A_394 = arith.constant 0 : i32
          scf.yield %scan3A_394 : i32
        }
        %scan3A_47 = arith.constant 8 : i32
        "tpu.region"() ({
          %run_scoped3A = tpu.sem_alloc : memref<!tpu.dma_semaphore, #tpu.memory_space<semaphore_mem>>
          %dma_start3A_48 = arith.constant 0 : i32
          %dma_start3A_49 = tpu.memref_slice %arg4[%min3A_17, %dma_start3A_48] : memref<1000000x12xf32, #tpu.memory_space<hbm>> -> memref<128x12xf32, #tpu.memory_space<hbm>>
          %dma_start3A_50 = arith.constant 0 : i32
          %dma_start3A_51 = tpu.memref_slice %arg4[%min3A_17, %dma_start3A_50] : memref<1000000x12xf32, #tpu.memory_space<hbm>> -> memref<128x12xf32, #tpu.memory_space<hbm>>
          tpu.enqueue_dma source(%arg18 : memref<128x12xf32, #tpu.memory_space<vmem>>) target(%dma_start3A_51 : memref<128x12xf32, #tpu.memory_space<hbm>>) target_semaphore(%run_scoped3A : memref<!tpu.dma_semaphore, #tpu.memory_space<semaphore_mem>>)
          %dma_wait3A_52 = arith.constant 0 : i32
          %dma_wait3A_53 = tpu.memref_slice %arg4[%min3A_17, %dma_wait3A_52] : memref<1000000x12xf32, #tpu.memory_space<hbm>> -> memref<128x12xf32, #tpu.memory_space<hbm>>
          %dma_wait3A_54 = arith.constant 0 : i32
          %dma_wait3A_55 = tpu.memref_slice %arg4[%min3A_17, %dma_wait3A_54] : memref<1000000x12xf32, #tpu.memory_space<hbm>> -> memref<128x12xf32, #tpu.memory_space<hbm>>
          tpu.wait_dma2 semaphore(%run_scoped3A : memref<!tpu.dma_semaphore, #tpu.memory_space<semaphore_mem>>) src(%arg18 : memref<128x12xf32, #tpu.memory_space<vmem>>) dst(%dma_wait3A_55 : memref<128x12xf32, #tpu.memory_space<hbm>>)
          tpu.yield
        }) : () -> ()
      } else {
      }
      %scan3A_14 = arith.constant 0 : i32
      scf.yield %scan3A_14 : i32
    }
    %scan3A_6 = arith.constant 245 : i32
    return
  }
}

</mosaic_0001>

<sc_bundles>
// kernel: kernel.3.cloned.1.call-start
scs
__scs_entry_jumppad:
0x0: {  	(pc) =	sbr.rel $0x88, $3  }
0x1: {  	(tag) =	ssettag $0x0;
	lr =	simm.s32 $0x1  }
0x2: {  	[smem:$0x3F9F] =	sst lr;
	_ =	strace $0xD0000000  }
0x3: {  	_ = 	snop  }
0x4: {  	_ = 	snop  }
0x5: {  	_ = 	snop  }
0x6: {  	_ = 	snop  }
0x7: {  	_ = 	snop  }
__scs_overlays_trampoline_lowered:
0x8: {  	[smem:$0x3FAE] =	sst s0  }
0x9: {  	[smem:$0x3FAF] =	sst s1  }
0xa: {  	[smem:$0x3FB0] =	sst s2  }
0xb: {  	[smem:$0x3FB1] =	sst s3  }
0xc: {  	[smem:$0x3FB2] =	sst s4  }
0xd: {  	[smem:$0x3FB3] =	sst s5  }
0xe: {  	[smem:$0x3FB4] =	sst s6  }
0xf: {  	[smem:$0x3FB5] =	sst s7  }
0x10: {  	[smem:$0x3FB6] =	sst s8  }
0x11: {  	[smem:$0x3FB7] =	sst s9;
	s0 =	simm.s32 @!p0 $0x0  }
0x12: {  	s1 =	sld [smem:$0x3F9D];
	s0 =	simm.s32 @p0 $0x1  }
0x13: {  	[smem:$0x3FB8] =	sst s0;
	s0 =	simm.s32 @!p1 $0x0  }
0x14: {  	s2 =	sld [smem:$0x3F9C];
	s0 =	simm.s32 @p1 $0x1  }
0x15: {  	[smem:$0x3FB9] =	sst s0;
	s0 =	simm.s32 @!p2 $0x0  }
0x16: {  	s3 =	sld [smem:$0x3FDB];
	s0 =	simm.s32 @p2 $0x1  }
0x17: {  	s4 =	simm.s32 $0x1BF5;
	[smem:$0x3FBB] =	sst s0  }
0x18: {  	s0 =	sld [smem:$0x3F9E];
	_ =	swait.ge [sflag:s4], $0x0  }
0x19: {  	s7 =	sld [smem:$0x3F9F]  }
0x1a: {  	s8 =	sadd.s32 $0xFFFFE003, lr  }
0x1b: {  	s9 =	sadd.s32 $0xFFFFFEF7, lr;
	s5 =	simm.s32 $0xFFFFFFFF;
	p2 =	slt.u32 s8, $0xFFFFF086  }
0x1c: {  	p1 =	slt.u32 s9, $0xF7A;
	s5 =	simm.s32 @!p2 $0x0  }
0x1d: {  	s5 =	simm.s32 @p1 $0x1;
	p0 =	seq.s32 s7, s2  }
0x1e: {  	s7 =	smul.u32 @!p0 $0xF7A, s2;
	p2 =	seq.s32 @!p0 s5, $0x0  }
0x1f: {  	s9 =	smul.u32 $0xF7A, s1;
	s8 =	simm.s32 @!p0 $0x1BF5;
	p2 =	por !p2, p0  }
0x20: {  	[sflag:s8] =	ssyncset.s32 @!p0 $0xFFFFF086;
	s6 =	sadd.s32 @!p0 s3, s7;
	s7 =	simm.s32 @!p0 $0x108  }
0x21: {  	s3 =	sadd.s32 s3, s9;
	s6 =	sadd.s32 @!p0 $0x88, s6;
	s7 =	simm.s32 @p2 $0x1082  }
0x22: {  	[simem:s7], [sflag:s8] =	dma.local @!p0 [hbm:s6], $0xF7A  }
0x23: {  	s9 =	sor.u32 $0xD0000000, s2;
	s6 =	simm.s32 $0x108;
	_ =	swait.ge @!p0 [sflag:s8], $0x0  }
0x24: {  	s3 =	sadd.s32 $0x88, s3;
	s6 =	simm.s32 @!p1 $0x1082;
	[sflag:s4] =	ssyncset.s32 $0xFFFFF086  }
0x25: {  	[simem:s6], [sflag:s4] =	dma.local [hbm:s3], $0xF7A  }
0x26: {  	[smem:$0x3F9F] =	sst s1;
	(tag) =	ssettag s2;
	_ =	strace s9  }
0x27: {  	s1 =	sld [smem:$0x3FAF]  }
0x28: {  	s2 =	sld [smem:$0x3FB0]  }
0x29: {  	s4 =	sld [smem:$0x3FB2]  }
0x2a: {  	p0 =	seq.s32 s5, $0x0;
	s5 =	sld [smem:$0x3FB3]  }
0x2b: {  	s6 =	sld [smem:$0x3FB4]  }
0x2c: {  	s7 =	sld [smem:$0x3FB5]  }
0x2d: {  	s3 =	simm.s32 $0x108;
	s8 =	sld [smem:$0x3FB6]  }
0x2e: {  	s3 =	simm.s32 @!p0 $0x1082;
	s9 =	sld [smem:$0x3FB7]  }
0x2f: {  	lr =	sadd.s32 s0, s3;
	s0 =	sld [smem:$0x3FAE]  }
0x30: {  	s3 =	sld [smem:$0x3FB1]  }
0x31: {  	[smem:$0x3FBA] =	sst s10  }
0x32: {  	s10 =	sld [smem:$0x3FB8];
	_ =	sdelay $0x3  }
0x33: {  	p0 =	seq.s32 s10, $0x1;
	s10 =	sld [smem:$0x3FBA];
	_ =	sdelay $0x3  }
0x34: {  	[smem:$0x3FBA] =	sst s10  }
0x35: {  	s10 =	sld [smem:$0x3FB9];
	_ =	sdelay $0x3  }
0x36: {  	p1 =	seq.s32 s10, $0x1;
	s10 =	sld [smem:$0x3FBA];
	_ =	sdelay $0x3  }
0x37: {  	[smem:$0x3FBA] =	sst s10  }
0x38: {  	s10 =	sld [smem:$0x3FBB]  }
0x39: {  	_ = 	snop;
	(pc) =	sbr.ind lr, $3  }
0x3a: {  	_ = 	snop  }
0x3b: {  	_ = 	snop  }
0x3c: {  	p2 =	seq.s32 s10, $0x1;
	s10 =	sld [smem:$0x3FBA]  }
0x3d: {  	_ =	shalt  }
0x3e: {  	_ =	shalt  }
0x3f: {  	_ =	shalt  }
0x40: {  	_ =	shalt  }
0x41: {  	_ =	shalt  }
0x42: {  	_ =	shalt  }
0x43: {  	_ =	shalt  }
0x44: {  	_ =	shalt  }
0x45: {  	_ =	shalt  }
0x46: {  	_ =	shalt  }
0x47: {  	_ =	shalt  }
0x48: {  	_ =	shalt  }
0x49: {  	_ =	shalt  }
0x4a: {  	_ =	shalt  }
0x4b: {  	_ =	shalt  }
0x4c: {  	_ =	shalt  }
0x4d: {  	_ =	shalt  }
0x4e: {  	_ =	shalt  }
0x4f: {  	_ =	shalt  }
0x50: {  	_ =	shalt  }
0x51: {  	_ =	shalt  }
0x52: {  	_ =	shalt  }
0x53: {  	_ =	shalt  }
0x54: {  	_ =	shalt  }
0x55: {  	_ =	shalt  }
0x56: {  	_ =	shalt  }
0x57: {  	_ =	shalt  }
0x58: {  	_ =	shalt  }
0x59: {  	_ =	shalt  }
0x5a: {  	_ =	shalt  }
0x5b: {  	_ =	shalt  }
0x5c: {  	_ =	shalt  }
0x5d: {  	_ =	shalt  }
0x5e: {  	_ =	shalt  }
0x5f: {  	_ =	shalt  }
0x60: {  	_ =	shalt  }
0x61: {  	_ =	shalt  }
0x62: {  	_ =	shalt  }
0x63: {  	_ =	shalt  }
0x64: {  	_ =	shalt  }
0x65: {  	_ =	shalt  }
0x66: {  	_ =	shalt  }
0x67: {  	_ =	shalt  }
0x68: {  	_ =	shalt  }
0x69: {  	_ =	shalt  }
0x6a: {  	_ =	shalt  }
0x6b: {  	_ =	shalt  }
0x6c: {  	_ =	shalt  }
0x6d: {  	_ =	shalt  }
0x6e: {  	_ =	shalt  }
0x6f: {  	_ =	shalt  }
0x70: {  	_ =	shalt  }
0x71: {  	_ =	shalt  }
0x72: {  	_ =	shalt  }
0x73: {  	_ =	shalt  }
0x74: {  	_ =	shalt  }
0x75: {  	_ =	shalt  }
0x76: {  	_ =	shalt  }
0x77: {  	_ =	shalt  }
0x78: {  	_ =	shalt  }
0x79: {  	_ =	shalt  }
0x7a: {  	_ =	shalt  }
0x7b: {  	_ =	shalt  }
0x7c: {  	_ =	shalt  }
0x7d: {  	_ =	shalt  }
0x7e: {  	_ =	shalt  }
0x7f: {  	_ =	shalt  }
0x80: {  	_ =	shalt  }
0x81: {  	_ =	shalt  }
0x82: {  	_ =	shalt  }
0x83: {  	_ =	shalt  }
0x84: {  	_ =	shalt  }
0x85: {  	_ =	shalt  }
0x86: {  	_ =	shalt  }
0x87: {  	_ =	shalt  }
.Lfunc_end0:
.L_simem_size_0:
called_computation.1_lowered:
.L_overlay_start_0:
0x88: {  	s2 =	sld [smem:$0x3FD9]  }
0x89: {  	s3 =	sld [smem:$0x3FFE];
	_ =	sdelay $0x1  }
0x8a: {  	s1 =	srdreg.scid  }
0x8b: {  	s0 =	sand.u32 $0x1, s1  }
0x8c: {  	s17 =	sshll.u32 s0, $0xA;
	s2 =	sadd.s32 s3, s2  }
0x8d: {  	s2 =	sadd.s32 s2, s17  }
0x8e: {  	[smem:$0x3FC6] =	sst s2  }
0x8f: {  	_ = 	snop  }
0x90: {  	s2 =	sld [smem:$0x3FD0];
	(tm) =	ssettm $0x1  }
0x91: {  	s18 =	sld [smem:$0x3FFB];
	_ =	sdelay $0x3  }
0x92: {  	_ =	strace s18  }
0x93: {  	s3 =	sld [smem:$0x3FFC];
	_ =	sdelay $0x3  }
0x94: {  	_ =	strace s3  }
0x95: {  	s3 =	sld [smem:$0x3FFD];
	_ =	sdelay $0x3  }
0x96: {  	_ =	strace s3  }
0x97: {  	_ =	strace $0x8FFFFFFF  }
0x98: {  	s19 =	sld [smem:$0x3FDB];
	_ =	sdelay $0x1  }
0x99: {  	s4 =	simm.s32 $_scs_section_size  }
0x9a: {  	s5 =	simm.s32 $_size__tile_overlayer_lowered;
	s6 =	simm.s32 $_tile_overlayer_lowered  }
0x9b: {  	s22 =	simm.s32 $0x1BFF;
	s21 =	sshll.u32 s6, $0x1;
	s3 =	sadd.s32 s4, s19  }
0x9c: {  	s7 =	simm.s32 $0x0;
	s20 =	sshll.u32 s5, $0x1;
	s5 =	sadd.s32 s21, s3  }
0x9d: {  	[timem:s7], [sflag:s22] =	dma.local [hbm:s5], s20  }
0x9e: {  	_ =	swait.ge [sflag:s22], s20  }
0x9f: {  	s4 =	ssub.s32 $0x0, s20;
	[sflag:s22] =	ssyncset.done $0x0  }
0xa0: {  	[sflag:s22] =	ssyncadd.s32 s4;
	_ =	sdelay $0x1  }
0xa1: {  	s23 =	simm.s32 $0x1B8B  }
0xa2: {  	_ =	swait.ge [sflag:s23], $0x1  }
0xa3: {  	[sflag:s23] =	ssyncset.done $0x0  }
0xa4: {  	s25 =	simm.s32 $0x1B8E;
	s24 =	sld [smem:$0x3FFE];
	[sflag:s23] =	ssyncadd.s32 $0xFFFFFFFF  }
0xa5: {  	s26 =	simm.s32 $execute0_lowered;
	[smem:$0x3FD2] =	sst s25  }
0xa6: {  	s5 =	sshll.u32 s26, $0x1;
	_ =	strace $0x80000049;
	[dreg:$0x1] =	wrdreg $0xFFFFFFFF  }
0xa7: {  	s28 =	simm.s32 $_size_execute0_lowered;
	s3 =	sadd.s32 s3, s5;
	[dreg:$0x0] =	wrdreg $0x0  }
0xa8: {  	s5 =	sshll.u32 s28, $0x1;
	[dreg:$0x2] =	wrdreg s3  }
0xa9: {  	[dreg:$0x3] =	wrdreg s5  }
0xaa: {  	[dreg:$0x4] =	wrdreg $0xC0  }
0xab: {  	_ =	task [dreg:s7], $0x5FFFF  }
0xac: {  	[dreg:$0x1] =	wrdreg $0xFFFFFFFF  }
0xad: {  	[dreg:$0x0] =	wrdreg $0x60  }
0xae: {  	[dreg:$0x2] =	wrdreg s24  }
0xaf: {  	[dreg:$0x3] =	wrdreg s2  }
0xb0: {  	[dreg:$0x4] =	wrdreg $0x9  }
0xb1: {  	_ =	task.clear_ibuf [dreg:s7], $0x5FFFF;
	_ =	strace $0x90000049  }
0xb2: {  	s29 =	simm.s32 $0x9;
	_ =	strace $0x8000004B  }
0xb3: {  	_ =	swait.ge [sflag:s29], $0x1  }
0xb4: {  	[sflag:s29] =	ssyncadd.s32 $0xFFFFFFFF  }
0xb5: {  	_ =	strace $0x9000004B  }
0xb6: {  	_ =	sfence  }
0xb7: {  	s30 =	sld [smem:$0x0];
	_ =	sdelay $0x2  }
0xb8: {  	s31 =	sshll.u32 s1, $0xD;
	s1 =	sshrl.u32 s1, $0x2  }
0xb9: {  	s3 =	sand.u32 $0x4000, s31;
	s1 =	sadd.s32 s1, s30  }
0xba: {  	s0 =	sor.u32 s3, s0;
	s1 =	sshll.u32 s1, $0x11  }
0xbb: {  	s0 =	sor.u32 s1, s0  }
0xbc: {  	s0 =	sadd.s32 $0x8F2B, s0  }
0xbd: {  	[sflag:s0] =	ssyncadd.remote.s32 $0x1  }
0xbe: {  	_ =	sfence.sel $0xFFFF  }
0xbf: {  	[dreg:$0x0] =	wrdreg $0xFFFFFFFF;
	(pc) =	sbr.abs _section_cstart, $3  }
0xc0: {  	[dreg:$0x1] =	wrdreg $0xFFFFFFFF  }
0xc1: {  	_ =	task.clear_ibuf [dreg:s7], $0x2FFFF;
	_ =	strace $0x9FFFFFFF  }
0xc2: {  	(tm) =	ssettm $0x7FFFFFFF  }
0xc3: {  	_ =	shalt  }
tec
execute0_lowered:
.L_overlay_start_1:
0x0: {  	(tag) =	ssettag $0x1  }
0x1: {  	s6 =	rddreg [dreg:$0x0]  }
0x2: {  	s1 =	rddreg [dreg:$0x1];
	s2 =	simm.s32 $0x0  }
0x3: {  	[smem:$0x7FF] =	sst s2  }
0x4: {  	s0 =	rddreg [dreg:$0x2];
	v0 =	vimm.f32 $5.000000070e-02;
	_ =	strace $0x8000004A  }
0x5: {  	(erf) = vrcp.f32 v0;
	_ =	sdelay $0x2  }
0x6: {  	s3 =	srdreg.scid;
	s9 =	simm.s32 $0x3  }
0x7: {  	s10 =	simm.s32 $0x80;
	s11 =	simm.s32 $0x4000;
	s12 =	simm.s32 $0x4480  }
0x8: {  	s13 =	simm.s32 $0x4080;
	s14 =	simm.s32 $0x8480;
	s15 =	simm.s32 $0x4100  }
.Ltmp0:
0x9: {  	v63 =	vlaneseq.u32;
	s16 =	simm.s32 $0xC480;
	s4 =	sand.u32 $0x1, s3;
	(pc) =	sbr.rel .LBB2_1-.Ltmp0, $4  }
0xa: {  	s17 =	simm.s32 $0x1;
	s18 =	simm.s32 $0x10480;
	v21 =	vmul.u32 $0x80, v63;
	s7 =	ssub.s32 $0x2, s4  }
0xb: {  	s19 =	simm.s32 $0x2;
	s20 =	simm.s32 $0x0;
	s8 =	sshrl.u32 s7, $0x1  }
0xc: {  	s5 =	sadd.s32 $0xC01600, s6;
	s3 =	stileid.u32;
	[tilespmem:$0x1FFF0] =	vst v21;
	s8 =	ssub.s32 s7, s8;
	v20 =	vpop (erf)  }
0xd: {  	s6 =	sadd.s32 $0x1B43A00, s6;
	s7 =	sshll.u32 s3, $0x1;
	s8 =	smax.u32 s8, $0x1;
	[tilespmem:$0x1FFE0] =	vst v20  }
.LBB2_9:
0xe: {  	s20 =	sadd.s32 $0x1, s20  }
0xf: {  	p0 =	sne.s32 s20, s8  }
.Ltmp1:
0x10: {  	_ = 	snop;
	(pc) =	sbr.rel @!p0 .LBB2_10-.Ltmp1, $1  }
0x11: {  	_ =	sdelay $0x3  }
.LBB2_1:
.Ltmp2:
0x12: {  	(pc) =	sbr.rel .LBB2_2-.Ltmp2, $2  }
0x13: {  	_ =	sdelay $0x2  }
0x14: {  	s21 =	simm.s32 $0x0  }
.LBB2_8:
0x15: {  	s21 =	sadd.s32 $0x1, s21  }
0x16: {  	p0 =	sne.s32 s21, $0xF5  }
.Ltmp3:
0x17: {  	_ = 	snop;
	(pc) =	sbr.rel @!p0 .LBB2_9-.Ltmp3, $1  }
0x18: {  	_ =	sdelay $0x3  }
.LBB2_2:
0x19: {  	s22 =	sshll.u32 s21, $0x5  }
0x1a: {  	s22 =	sor.u32 s22, s7  }
0x1b: {  	s22 =	sor.u32 s4, s22  }
0x1c: {  	p0 =	sgt.u32 s22, $0x1E84  }
.Ltmp4:
0x1d: {  	_ = 	snop;
	(pc) =	sbr.rel @p0 .LBB2_8-.Ltmp4, $1  }
0x1e: {  	_ =	sdelay $0x3  }
0x1f: {  	s22 =	sshll.u32 s22, $0x7;
	s24 =	simm.s32 $0x0  }
0x20: {  	s22 =	smin.u32 s22, $0xF41C0;
	v0 =	vmov s24  }
0x21: {  	s22 =	sshll.u32 s22, $0x4;
	v0 =	vshll.u32 v0, $0x7  }
0x22: {  	s23 =	sadd.s32 s5, s22;
	v0 =	vor.u32 v21, v0  }
0x23: {  	[tilespmem:s24], [sflag:$0x3] =	stream.linear.gather [hbm4b:s23+s24], $0x4000, $0x38;
	v1 =	vor.u32 $0x2, v0;
	[tilespmem:$0x14480] =	vst v63  }
0x24: {  	v5 =	vor.u32 $0x1, v0;
	_ =	swait.ge [sflag:s9], $0x4000  }
0x25: {  	s25 =	simm.s32 $0x10;
	[sflag:s9] =	ssyncset.done $0x0  }
0x26: {  	v2 =	vmov s25;
	[sflag:s9] =	ssyncadd.s32 $0xFFFFC000  }
0x27: {  	v2 =	vshll.u32 v2, $0x7;
	v0 =	vld.idx.msk [tilespmem:v0+s2+$0x0], $0xffff  }
0x28: {  	v2 =	vor.u32 v21, v2;
	v1 =	vld.idx.msk [tilespmem:v1+s2+$0x0], $0xffff  }
0x29: {  	s26 =	simm.s32 $0x80;
	s23 =	simm.s32 $0x40;
	v3 =	vor.u32 $0x1, v2;
	v4 =	vor.u32 $0x2, v2;
	v5 =	vld.idx.msk [tilespmem:v5+s2+$0x0], $0xffff  }
.LBB2_4:
0x2a: {  	p0 =	sne.s32 s26, $0x1C0  }
0x2b: {  	s25 =	sadd.s32 $0x10, s25;
	s28 =	smov.u32 s26;
	s26 =	sadd.s32 $0x40, s26  }
0x2c: {  	v6 =	vmov s25  }
0x2d: {  	v6 =	vshll.u32 v6, $0x7  }
0x2e: {  	v0 =	vadd.f32 $1.000000000e+00, v0;
	v6 =	vor.u32 v21, v6  }
0x2f: {  	v1 =	vmul.f32 v1, v20;
	v7 =	vor.u32 $0x1, v6;
	v8 =	vor.u32 $0x2, v6  }
0x30: {  	v0 =	vmul.f32 $5.110000000e+02, v0;
	v5 =	vadd.f32 $1.000000000e+00, v5  }
0x31: {  	v1 =	vadd.f32 $1.000000000e+00, v1  }
0x32: {  	v0 =	vmul.f32 $5.000000000e-01, v0;
	v5 =	vmul.f32 $5.110000000e+02, v5  }
0x33: {  	v1 =	vmul.f32 $5.110000000e+02, v1  }
0x34: {  	v5 =	vmul.f32 $5.000000000e-01, v5;
	v9 =	vtrunc.f32 v0  }
0x35: {  	v1 =	vmul.f32 $5.000000000e-01, v1;
	v9 =	vcvt.f32.s32 v9  }
0x36: {  	v10 =	vtrunc.f32 v5  }
0x37: {  	vm0 =	vgt.s32 v9, $0x0;
	v10 =	vcvt.f32.s32 v10;
	v11 =	vtrunc.f32 v1  }
0x38: {  	v12 =	vcvt.s32.f32 v9;
	v9 =	vnsel vm0, $0x0, v9;
	v11 =	vcvt.f32.s32 v11  }
0x39: {  	v9 =	vmin.u32 v9, $0x1FE;
	v13 =	vcvt.s32.f32 v10;
	vm0 =	vgt.s32 v10, $0x0  }
0x3a: {  	v10 =	vnsel vm0, $0x0, v10;
	v14 =	vcvt.s32.f32 v11;
	vm0 =	vgt.s32 v11, $0x0  }
0x3b: {  	v15 =	vshrl.u32 v9, $0x3;
	v10 =	vmin.u32 v10, $0x1FE;
	v11 =	vnsel vm0, $0x0, v11  }
0x3c: {  	vm0 =	vlt.f32 v1, v14;
	v16 =	vadd.f32 $-1.000000000e+00, v14;
	v11 =	vmin.u32 v11, $0x1FE  }
0x3d: {  	v17 =	vshll.u32 v10, $0x6;
	v18 =	vshrl.u32 v11, $0x3;
	v19 =	vshll.u32 v11, $0x6  }
0x3e: {  	v14 =	vsel vm0, v16, v14;
	v16 =	vor.u32 v17, v18;
	v15 =	vor.u32 v15, v19  }
0x3f: {  	s29 =	sshra.s32 s24, $0x2;
	s24 =	smov.u32 s23;
	s23 =	smov.u32 s28;
	v1 =	vsub.f32 v1, v14;
	v14 =	vor.u32 $0x10000, v16;
	v15 =	vor.u32 $0x8000, v15  }
0x40: {  	vm0 =	vlt.f32 v5, v13;
	v17 =	vadd.f32 $-1.000000000e+00, v13;
	v16 =	vadd.f32 $-1.000000000e+00, v12;
	[tilespmem:s29+$0x4080] =	vst v14  }
0x41: {  	vm1 =	vlt.f32 v0, v12;
	v11 =	vshll.u32 v11, $0x4;
	v14 =	vshll.u32 v10, $0x4;
	[tilespmem:s29+$0x4280] =	vst v1  }
0x42: {  	v1 =	vsel vm1, v16, v12;
	v12 =	vsel vm0, v17, v13;
	v13 =	vand.u32 $0x70, v14;
	[tilespmem:s29+$0x4100] =	vst v15  }
0x43: {  	v0 =	vsub.f32 v0, v1;
	v1 =	vsub.f32 v5, v12;
	v5 =	vand.u32 $0x70, v11;
	[tilespmem:s29+$0x4300] =	vst v13  }
0x44: {  	v10 =	vshrl.u32 v10, $0x3;
	v11 =	vshll.u32 v9, $0x6;
	[tilespmem:s29+$0x4380] =	vst v5;
	v5 =	vshll.u32 v9, $0x4  }
0x45: {  	v9 =	vor.u32 v11, v10;
	v5 =	vand.u32 $0x70, v5;
	[tilespmem:s29+$0x4200] =	vst v1  }
0x46: {  	[tilespmem:s29+$0x4180] =	vst v0  }
.Ltmp5:
0x47: {  	[tilespmem:s29+$0x4000] =	vst v9;
	(pc) =	sbr.rel @p0 .LBB2_4-.Ltmp5, $4  }
0x48: {  	[tilespmem:s29+$0x4400] =	vst v5  }
0x49: {  	v0 =	vld.idx.msk [tilespmem:v2+s2+$0x0], $0xffff;
	v2 =	vmov v6  }
0x4a: {  	v1 =	vld.idx.msk [tilespmem:v4+s2+$0x0], $0xffff;
	v4 =	vmov v8  }
0x4b: {  	v5 =	vld.idx.msk [tilespmem:v3+s2+$0x0], $0xffff;
	v3 =	vmov v7  }
0x4c: {  	_ =	sdelay $0x1  }
0x4d: {  	v0 =	vadd.f32 $1.000000000e+00, v0  }
0x4e: {  	v1 =	vmul.f32 v1, v20  }
0x4f: {  	v0 =	vmul.f32 $5.110000000e+02, v0;
	v5 =	vadd.f32 $1.000000000e+00, v5  }
0x50: {  	v1 =	vadd.f32 $1.000000000e+00, v1  }
0x51: {  	v0 =	vmul.f32 $5.000000000e-01, v0;
	v5 =	vmul.f32 $5.110000000e+02, v5  }
0x52: {  	v1 =	vmul.f32 $5.110000000e+02, v1  }
0x53: {  	v5 =	vmul.f32 $5.000000000e-01, v5;
	v6 =	vtrunc.f32 v0  }
0x54: {  	v1 =	vmul.f32 $5.000000000e-01, v1;
	v6 =	vcvt.f32.s32 v6  }
0x55: {  	v7 =	vtrunc.f32 v5  }
0x56: {  	vm0 =	vgt.s32 v6, $0x0;
	v7 =	vcvt.f32.s32 v7;
	v8 =	vtrunc.f32 v1  }
0x57: {  	v9 =	vnsel vm0, $0x0, v6;
	v8 =	vcvt.f32.s32 v8  }
0x58: {  	v6 =	vcvt.s32.f32 v6;
	v9 =	vmin.u32 v9, $0x1FE;
	vm6 =	vgt.s32 v7, $0x0  }
0x59: {  	v10 =	vnsel vm6, $0x0, v7;
	v11 =	vcvt.s32.f32 v8;
	vm7 =	vgt.s32 v8, $0x0  }
0x5a: {  	v7 =	vcvt.s32.f32 v7;
	v12 =	vshrl.u32 v9, $0x3;
	v25 =	vadd.f32 $-1.000000000e+00, v6  }
0x5b: {  	vm1 =	vlt.f32 v0, v6;
	v10 =	vmin.u32 v10, $0x1FE;
	v8 =	vnsel vm7, $0x0, v8  }
0x5c: {  	v13 =	vadd.f32 $-1.000000000e+00, v11;
	v8 =	vmin.u32 v8, $0x1FE;
	vm8 =	vlt.f32 v1, v11  }
0x5d: {  	v14 =	vshll.u32 v10, $0x6;
	v26 =	vadd.f32 $-1.000000000e+00, v7;
	v6 =	vsel vm1, v25, v6  }
0x5e: {  	vm9 =	vlt.f32 v5, v7;
	v15 =	vshrl.u32 v8, $0x3;
	v0 =	vsub.f32 v0, v6  }
0x5f: {  	s24 =	sshra.s32 s24, $0x2;
	v16 =	vshll.u32 v8, $0x6;
	v11 =	vsel vm8, v13, v11;
	v24 =	vor.u32 v14, v15  }
0x60: {  	v12 =	vor.u32 v12, v16;
	v1 =	vsub.f32 v1, v11;
	v11 =	vor.u32 $0x10000, v24;
	[tilespmem:s24+$0x4180] =	vst v0  }
0x61: {  	v7 =	vsel vm9, v26, v7;
	v12 =	vor.u32 $0x8000, v12;
	[tilespmem:s24+$0x4080] =	vst v11  }
0x62: {  	v5 =	vsub.f32 v5, v7;
	[tilespmem:s24+$0x4100] =	vst v12  }
0x63: {  	v11 =	vshll.u32 v10, $0x4;
	[tilespmem:s24+$0x4280] =	vst v1  }
0x64: {  	v1 =	vshll.u32 v8, $0x4;
	v8 =	vand.u32 $0x70, v11;
	[tilespmem:s24+$0x4200] =	vst v5  }
0x65: {  	v5 =	vshll.u32 v9, $0x4;
	[tilespmem:s24+$0x4300] =	vst v8;
	v1 =	vand.u32 $0x70, v1  }
0x66: {  	v6 =	vshrl.u32 v10, $0x3;
	v0 =	vand.u32 $0x70, v5;
	[tilespmem:s24+$0x4380] =	vst v1;
	v1 =	vshll.u32 v9, $0x6  }
0x67: {  	[tilespmem:s24+$0x4400] =	vst v0;
	v1 =	vor.u32 v1, v6  }
0x68: {  	[tilespmem:s24+$0x4000] =	vst v1  }
0x69: {  	v0 =	vld.idx.msk [tilespmem:v2+s2+$0x0], $0xffff  }
0x6a: {  	v1 =	vld.idx.msk [tilespmem:v4+s2+$0x0], $0xffff  }
0x6b: {  	v2 =	vld.idx.msk [tilespmem:v3+s2+$0x0], $0xffff;
	_ =	sdelay $0x3  }
0x6c: {  	v0 =	vadd.f32 $1.000000000e+00, v0  }
0x6d: {  	v1 =	vmul.f32 v1, v20;
	v2 =	vadd.f32 $1.000000000e+00, v2  }
0x6e: {  	v0 =	vmul.f32 $5.110000000e+02, v0  }
0x6f: {  	v1 =	vadd.f32 $1.000000000e+00, v1;
	v2 =	vmul.f32 $5.110000000e+02, v2  }
0x70: {  	v0 =	vmul.f32 $5.000000000e-01, v0  }
0x71: {  	v1 =	vmul.f32 $5.110000000e+02, v1;
	v2 =	vmul.f32 $5.000000000e-01, v2  }
0x72: {  	v3 =	vtrunc.f32 v0  }
0x73: {  	v1 =	vmul.f32 $5.000000000e-01, v1;
	v4 =	vtrunc.f32 v2  }
0x74: {  	v3 =	vcvt.f32.s32 v3;
	v4 =	vcvt.f32.s32 v4  }
0x75: {  	v5 =	vtrunc.f32 v1  }
0x76: {  	vm10 =	vgt.s32 v3, $0x0;
	v5 =	vcvt.f32.s32 v5;
	vm11 =	vgt.s32 v4, $0x0  }
0x77: {  	v6 =	vnsel vm10, $0x0, v3;
	v3 =	vcvt.s32.f32 v3;
	v7 =	vnsel vm11, $0x0, v4  }
0x78: {  	v4 =	vcvt.s32.f32 v4;
	v8 =	vcvt.s32.f32 v5;
	vm12 =	vgt.s32 v5, $0x0  }
0x79: {  	v6 =	vmin.u32 v6, $0x1FE;
	v7 =	vmin.u32 v7, $0x1FE;
	v5 =	vnsel vm12, $0x0, v5  }
0x7a: {  	v9 =	vshrl.u32 v6, $0x3;
	v10 =	vadd.f32 $-1.000000000e+00, v8;
	v5 =	vmin.u32 v5, $0x1FE  }
0x7b: {  	v11 =	vshll.u32 v7, $0x6;
	vm13 =	vlt.f32 v1, v8;
	v27 =	vshrl.u32 v5, $0x3  }
0x7c: {  	v28 =	vshll.u32 v5, $0x6;
	v8 =	vsel vm13, v10, v8;
	v10 =	vor.u32 v11, v27  }
0x7d: {  	s23 =	sshra.s32 s23, $0x2;
	v9 =	vor.u32 v9, v28;
	v1 =	vsub.f32 v1, v8;
	v8 =	vor.u32 $0x10000, v10  }
0x7e: {  	vm14 =	vlt.f32 v2, v4;
	v11 =	vadd.f32 $-1.000000000e+00, v4;
	v9 =	vor.u32 $0x8000, v9;
	[tilespmem:s23+$0x4080] =	vst v8  }
0x7f: {  	vm15 =	vlt.f32 v0, v3;
	v10 =	vadd.f32 $-1.000000000e+00, v3;
	v8 =	vshll.u32 v7, $0x4;
	[tilespmem:s23+$0x4100] =	vst v9  }
0x80: {  	v4 =	vsel vm14, v11, v4;
	[tilespmem:s23+$0x4280] =	vst v1;
	v1 =	vshll.u32 v5, $0x4;
	v5 =	vand.u32 $0x70, v8  }
0x81: {  	v3 =	vsel vm15, v10, v3;
	v2 =	vsub.f32 v2, v4;
	[tilespmem:s23+$0x4300] =	vst v5;
	v1 =	vand.u32 $0x70, v1  }
0x82: {  	v0 =	vsub.f32 v0, v3;
	[tilespmem:s23+$0x4380] =	vst v1  }
0x83: {  	v3 =	vshrl.u32 v7, $0x3;
	v1 =	vshll.u32 v6, $0x6;
	[tilespmem:s23+$0x4200] =	vst v2  }
0x84: {  	v2 =	vshll.u32 v6, $0x4;
	v1 =	vor.u32 v1, v3;
	[tilespmem:s23+$0x4180] =	vst v0  }
0x85: {  	v0 =	vand.u32 $0x70, v2;
	[tilespmem:s23+$0x4000] =	vst v1  }
0x86: {  	[tilespmem:s23+$0x4400] =	vst v0  }
0x87: {  	[tilespmem:s12], [sflag:$0x1] =	stream.indirect.gather [hbm4b:s1+s10], $0x80, s11, s10, $0xb8;
	[tilespmem:$0x14480] =	vst v63  }
0x88: {  	_ = 	snop  }
0x89: {  	[tilespmem:s14], [sflag:$0x1] =	stream.indirect.gather [hbm4b:s1+s10], $0x80, s13, s10, $0xb8;
	[tilespmem:$0x14480] =	vst v63  }
0x8a: {  	_ = 	snop  }
0x8b: {  	[tilespmem:s16], [sflag:$0x1] =	stream.indirect.gather [hbm4b:s1+s10], $0x80, s15, s10, $0xb8;
	[tilespmem:$0x14480] =	vst v63  }
0x8c: {  	_ =	swait.ge [sflag:s17], $0x4000  }
0x8d: {  	[sflag:s17] =	ssyncset.done $0x0  }
0x8e: {  	[sflag:s17] =	ssyncadd.s32 $0xFFFFC000  }
0x8f: {  	_ =	swait.ge [sflag:s17], $0x4000  }
0x90: {  	[sflag:s17] =	ssyncset.done $0x0  }
0x91: {  	[sflag:s17] =	ssyncadd.s32 $0xFFFFC000  }
0x92: {  	_ =	swait.ge [sflag:s17], $0x4000  }
0x93: {  	[sflag:s17] =	ssyncset.done $0x0  }
0x94: {  	s26 =	simm.s32 $0x4300;
	[sflag:s17] =	ssyncadd.s32 $0xFFFFC000  }
0x95: {  	v8 =	vld [tilespmem:s26+$0x0]  }
0x96: {  	s31 =	simm.s32 $0x0  }
0x97: {  	v0 =	vmov s31  }
0x98: {  	v0 =	vshll.u32 v0, $0x7  }
0x99: {  	v2 =	vor.u32 v21, v0  }
0x9a: {  	v1 =	vand.u32 $0xFFFFFF80, v8;
	v3 =	vadd.s32 $0x4, v8;
	v4 =	vadd.s32 $0x8, v8  }
0x9b: {  	v0 =	vand.u32 $0x7F, v8;
	v5 =	vand.u32 $0xFFFFFF80, v4;
	v1 =	vadd.s32 v2, v1  }
0x9c: {  	s23 =	simm.s32 $0x4200;
	v4 =	vand.u32 $0x7F, v4;
	v5 =	vadd.s32 v2, v5;
	v1 =	vor.u32 v0, v1  }
0x9d: {  	s24 =	simm.s32 $0x4180;
	v6 =	vand.u32 $0xFFFFFF80, v3;
	v0 =	vld [tilespmem:s23+$0x0];
	v5 =	vor.u32 v4, v5  }
0x9e: {  	v7 =	vadd.s32 $0xC, v8;
	v3 =	vand.u32 $0x7F, v3;
	v6 =	vadd.s32 v2, v6;
	v4 =	vld [tilespmem:s24+$0x0]  }
0x9f: {  	v9 =	vand.u32 $0xFFFFFF80, v7;
	v3 =	vor.u32 v3, v6  }
0xa0: {  	v6 =	vand.u32 $0x7F, v7;
	v7 =	vadd.s32 v2, v9  }
0xa1: {  	v6 =	vor.u32 v6, v7;
	v7 =	vld.idx.msk [tilespmem:v1+s12+$0x0], $0xffff  }
0xa2: {  	v9 =	vld.idx.msk [tilespmem:v5+s12+$0x0], $0xffff  }
0xa3: {  	v1 =	vsub.f32 $1.000000000e+00, v0;
	v5 =	vsub.f32 $1.000000000e+00, v4  }
0xa4: {  	v3 =	vld.idx.msk [tilespmem:v3+s12+$0x0], $0xffff  }
0xa5: {  	v11 =	vmul.f32 v1, v4;
	v10 =	vmul.f32 v1, v5  }
0xa6: {  	v29 =	vadd.s32 $0x1, v8;
	v30 =	vadd.s32 $0x9, v8;
	v6 =	vld.idx.msk [tilespmem:v6+s12+$0x0], $0xffff;
	v31 =	vmul.f32 v0, v5  }
0xa7: {  	v32 =	vand.u32 $0xFFFFFF80, v29;
	v7 =	vmul.f32 v7, v10;
	v9 =	vmul.f32 v9, v11  }
0xa8: {  	v17 =	vadd.s32 $0x5, v8;
	v12 =	vand.u32 $0x7F, v29;
	v15 =	vadd.s32 v2, v32  }
0xa9: {  	v18 =	vmul.f32 v0, v4;
	v3 =	vmul.f32 v3, v31;
	v7 =	vadd.f32 v9, v7  }
0xaa: {  	v33 =	vand.u32 $0xFFFFFF80, v30;
	v13 =	vand.u32 $0x7F, v30;
	v12 =	vor.u32 v12, v15  }
0xab: {  	v6 =	vmul.f32 v6, v18;
	v9 =	vadd.s32 v2, v33;
	v34 =	vadd.f32 v7, v3  }
0xac: {  	s25 =	simm.s32 $0x4400;
	v38 =	vadd.s32 $0xD, v8;
	v9 =	vor.u32 v13, v9;
	v7 =	vand.u32 $0xFFFFFF80, v17  }
0xad: {  	s26 =	simm.s32 $0x4380;
	v37 =	vand.u32 $0x7F, v17;
	v3 =	vld [tilespmem:s25+$0x0];
	v35 =	vadd.s32 v2, v7;
	v36 =	vadd.f32 v34, v6  }
0xae: {  	v39 =	vand.u32 $0xFFFFFF80, v38;
	s25 =	simm.s32 $0x4280;
	v7 =	vld [tilespmem:s26+$0x0];
	v13 =	vor.u32 v37, v35  }
0xaf: {  	v16 =	vand.u32 $0x7F, v38;
	v15 =	vadd.s32 v2, v39;
	v6 =	vld [tilespmem:s25+$0x0];
	[tilespmem:v2+s18+$0x0] =	vst.idx.msk $0xffff, v36  }
0xb0: {  	v15 =	vor.u32 v16, v15;
	v12 =	vld.idx.msk [tilespmem:v12+s12+$0x0], $0xffff  }
0xb1: {  	v9 =	vld.idx.msk [tilespmem:v9+s12+$0x0], $0xffff;
	_ =	sdelay $0x1  }
0xb2: {  	v13 =	vld.idx.msk [tilespmem:v13+s12+$0x0], $0xffff;
	_ =	sdelay $0x1  }
0xb3: {  	v45 =	vor.u32 $0x1, v2;
	v40 =	vadd.s32 $0x2, v8;
	v15 =	vld.idx.msk [tilespmem:v15+s12+$0x0], $0xffff  }
0xb4: {  	v43 =	vadd.s32 $0xA, v8;
	v12 =	vmul.f32 v12, v10;
	v9 =	vmul.f32 v9, v11  }
0xb5: {  	v41 =	vand.u32 $0xFFFFFF80, v40;
	v19 =	vand.u32 $0xFFFFFF80, v43;
	v16 =	vand.u32 $0x7F, v40  }
0xb6: {  	v17 =	vadd.s32 v2, v41;
	v9 =	vadd.f32 v9, v12;
	v42 =	vmul.f32 v13, v31  }
0xb7: {  	v44 =	vadd.s32 $0x6, v8;
	v19 =	vadd.s32 v2, v19;
	v16 =	vor.u32 v16, v17  }
0xb8: {  	v15 =	vmul.f32 v15, v18;
	v13 =	vand.u32 $0x7F, v43;
	v9 =	vadd.f32 v9, v42  }
0xb9: {  	v47 =	vadd.s32 $0xE, v8;
	v46 =	vand.u32 $0xFFFFFF80, v44;
	v13 =	vor.u32 v13, v19  }
0xba: {  	v12 =	vand.u32 $0x7F, v44;
	v19 =	vadd.s32 v2, v46;
	v9 =	vadd.f32 v9, v15  }
0xbb: {  	v48 =	vand.u32 $0xFFFFFF80, v47;
	v12 =	vor.u32 v12, v19  }
0xbc: {  	v15 =	vand.u32 $0x7F, v47;
	[tilespmem:v45+s18+$0x0] =	vst.idx.msk $0xffff, v9;
	v9 =	vadd.s32 v2, v48  }
0xbd: {  	v16 =	vld.idx.msk [tilespmem:v16+s12+$0x0], $0xffff;
	v9 =	vor.u32 v15, v9  }
0xbe: {  	v13 =	vld.idx.msk [tilespmem:v13+s12+$0x0], $0xffff;
	_ =	sdelay $0x1  }
0xbf: {  	v12 =	vld.idx.msk [tilespmem:v12+s12+$0x0], $0xffff;
	_ =	sdelay $0x1  }
0xc0: {  	v54 =	vor.u32 $0x2, v2;
	v50 =	vadd.s32 $0xB, v8;
	v9 =	vld.idx.msk [tilespmem:v9+s12+$0x0], $0xffff  }
0xc1: {  	v52 =	vadd.s32 $0x3, v8;
	v49 =	vmul.f32 v16, v10;
	v13 =	vmul.f32 v13, v11  }
0xc2: {  	v55 =	vadd.s32 $0x7, v8;
	v51 =	vand.u32 $0xFFFFFF80, v50;
	v53 =	vand.u32 $0xFFFFFF80, v52  }
0xc3: {  	v17 =	vadd.s32 v2, v51;
	v12 =	vmul.f32 v12, v31;
	v13 =	vadd.f32 v13, v49  }
0xc4: {  	v19 =	vadd.s32 v2, v53;
	v15 =	vand.u32 $0x7F, v52;
	v16 =	vand.u32 $0x7F, v50  }
0xc5: {  	v16 =	vor.u32 v16, v17;
	v12 =	vadd.f32 v13, v12;
	v9 =	vmul.f32 v9, v18  }
0xc6: {  	v8 =	vadd.s32 $0xF, v8;
	v56 =	vand.u32 $0xFFFFFF80, v55;
	v15 =	vor.u32 v15, v19  }
0xc7: {  	v17 =	vand.u32 $0x7F, v55;
	v9 =	vadd.f32 v12, v9;
	v12 =	vadd.s32 v2, v56  }
0xc8: {  	v57 =	vand.u32 $0xFFFFFF80, v8;
	v12 =	vor.u32 v17, v12  }
0xc9: {  	v8 =	vand.u32 $0x7F, v8;
	[tilespmem:v54+s18+$0x0] =	vst.idx.msk $0xffff, v9;
	v9 =	vadd.s32 v2, v57  }
0xca: {  	v8 =	vor.u32 v8, v9;
	v9 =	vld.idx.msk [tilespmem:v16+s12+$0x0], $0xffff  }
0xcb: {  	v13 =	vld.idx.msk [tilespmem:v15+s12+$0x0], $0xffff;
	_ =	sdelay $0x1  }
0xcc: {  	v12 =	vld.idx.msk [tilespmem:v12+s12+$0x0], $0xffff;
	_ =	sdelay $0x1  }
0xcd: {  	v62 =	vor.u32 $0x3, v2;
	v8 =	vld.idx.msk [tilespmem:v8+s12+$0x0], $0xffff  }
0xce: {  	v58 =	vand.u32 $0xFFFFFF80, v7;
	v9 =	vmul.f32 v9, v11;
	v10 =	vmul.f32 v13, v10  }
0xcf: {  	v59 =	vadd.s32 $0x8, v7;
	v63 =	vand.u32 $0x7F, v7;
	v60 =	vadd.s32 v2, v58  }
0xd0: {  	v61 =	vand.u32 $0xFFFFFF80, v59;
	v9 =	vadd.f32 v9, v10;
	v12 =	vmul.f32 v12, v31  }
0xd1: {  	v16 =	vand.u32 $0x7F, v59;
	v11 =	vadd.s32 $0x4, v7;
	v10 =	vadd.s32 v2, v61  }
0xd2: {  	v8 =	vmul.f32 v8, v18;
	v9 =	vadd.f32 v9, v12;
	v18 =	vor.u32 v63, v60  }
0xd3: {  	v19 =	vand.u32 $0xFFFFFF80, v11;
	v10 =	vor.u32 v16, v10  }
0xd4: {  	v11 =	vand.u32 $0x7F, v11;
	v13 =	vadd.s32 v2, v19;
	v8 =	vadd.f32 v9, v8  }
0xd5: {  	v11 =	vor.u32 v11, v13;
	v9 =	vadd.s32 $0xC, v7  }
0xd6: {  	[tilespmem:v62+s18+$0x0] =	vst.idx.msk $0xffff, v8;
	v8 =	vand.u32 $0xFFFFFF80, v9  }
0xd7: {  	v24 =	vand.u32 $0x7F, v9;
	v12 =	vld.idx.msk [tilespmem:v18+s14+$0x0], $0xffff;
	v8 =	vadd.s32 v2, v8  }
0xd8: {  	v10 =	vld.idx.msk [tilespmem:v10+s14+$0x0], $0xffff;
	v8 =	vor.u32 v24, v8  }
0xd9: {  	v9 =	vsub.f32 $1.000000000e+00, v6  }
0xda: {  	v11 =	vld.idx.msk [tilespmem:v11+s14+$0x0], $0xffff  }
0xdb: {  	v25 =	vmul.f32 v9, v1;
	v26 =	vmul.f32 v9, v0  }
0xdc: {  	v1 =	vmul.f32 v6, v1  }
0xdd: {  	v27 =	vadd.s32 $0x1, v7;
	v12 =	vmul.f32 v12, v25;
	v10 =	vmul.f32 v10, v26;
	v8 =	vld.idx.msk [tilespmem:v8+s14+$0x0], $0xffff  }
0xde: {  	v32 =	vor.u32 $0x4, v2;
	v30 =	vadd.s32 $0x5, v7;
	v28 =	vand.u32 $0xFFFFFF80, v27  }
0xdf: {  	v29 =	vadd.s32 v2, v28;
	v11 =	vmul.f32 v11, v1;
	v10 =	vadd.f32 v10, v12  }
0xe0: {  	v15 =	vand.u32 $0x7F, v27;
	v31 =	vadd.s32 $0x9, v7;
	v0 =	vmul.f32 v6, v0  }
0xe1: {  	v17 =	vand.u32 $0x7F, v31;
	v10 =	vadd.f32 v10, v11;
	v11 =	vand.u32 $0xFFFFFF80, v31  }
0xe2: {  	v12 =	vor.u32 v15, v29;
	v11 =	vadd.s32 v2, v11;
	v8 =	vmul.f32 v8, v0  }
0xe3: {  	v33 =	vand.u32 $0xFFFFFF80, v30;
	v11 =	vor.u32 v17, v11  }
0xe4: {  	v16 =	vand.u32 $0x7F, v30;
	v17 =	vadd.s32 v2, v33;
	v8 =	vadd.f32 v10, v8  }
0xe5: {  	v34 =	vadd.s32 $0xD, v7;
	v10 =	vor.u32 v16, v17  }
0xe6: {  	[tilespmem:v32+s18+$0x0] =	vst.idx.msk $0xffff, v8;
	v8 =	vand.u32 $0xFFFFFF80, v34  }
0xe7: {  	v35 =	vand.u32 $0x7F, v34;
	v12 =	vld.idx.msk [tilespmem:v12+s14+$0x0], $0xffff;
	v8 =	vadd.s32 v2, v8  }
0xe8: {  	v11 =	vld.idx.msk [tilespmem:v11+s14+$0x0], $0xffff;
	v8 =	vor.u32 v35, v8;
	_ =	sdelay $0x1  }
0xe9: {  	v10 =	vld.idx.msk [tilespmem:v10+s14+$0x0], $0xffff;
	_ =	sdelay $0x2  }
0xea: {  	v12 =	vmul.f32 v12, v25;
	v11 =	vmul.f32 v11, v26;
	v8 =	vld.idx.msk [tilespmem:v8+s14+$0x0], $0xffff  }
0xeb: {  	v41 =	vor.u32 $0x5, v2;
	v36 =	vadd.s32 $0x2, v7;
	v39 =	vadd.s32 $0x6, v7  }
0xec: {  	v37 =	vand.u32 $0xFFFFFF80, v36;
	v11 =	vadd.f32 v11, v12;
	v10 =	vmul.f32 v10, v1  }
0xed: {  	v40 =	vadd.s32 $0xA, v7;
	v38 =	vadd.s32 v2, v37;
	v15 =	vand.u32 $0x7F, v36  }
0xee: {  	v17 =	vand.u32 $0x7F, v40;
	v10 =	vadd.f32 v11, v10;
	v11 =	vand.u32 $0xFFFFFF80, v40  }
0xef: {  	v12 =	vor.u32 v15, v38;
	v11 =	vadd.s32 v2, v11;
	v8 =	vmul.f32 v8, v0  }
0xf0: {  	v43 =	vadd.s32 $0xE, v7;
	v42 =	vand.u32 $0xFFFFFF80, v39;
	v11 =	vor.u32 v17, v11  }
0xf1: {  	v17 =	vadd.s32 v2, v42;
	v8 =	vadd.f32 v10, v8;
	v10 =	vand.u32 $0x7F, v39  }
0xf2: {  	v44 =	vand.u32 $0xFFFFFF80, v43;
	v10 =	vor.u32 v10, v17  }
0xf3: {  	v45 =	vand.u32 $0x7F, v43;
	[tilespmem:v41+s18+$0x0] =	vst.idx.msk $0xffff, v8;
	v8 =	vadd.s32 v2, v44  }
0xf4: {  	v12 =	vld.idx.msk [tilespmem:v12+s14+$0x0], $0xffff;
	v8 =	vor.u32 v45, v8  }
0xf5: {  	v11 =	vld.idx.msk [tilespmem:v11+s14+$0x0], $0xffff;
	_ =	sdelay $0x1  }
0xf6: {  	v10 =	vld.idx.msk [tilespmem:v10+s14+$0x0], $0xffff;
	_ =	sdelay $0x1  }
0xf7: {  	v8 =	vld.idx.msk [tilespmem:v8+s14+$0x0], $0xffff  }
0xf8: {  	v46 =	vadd.s32 $0x3, v7;
	v12 =	vmul.f32 v12, v25;
	v11 =	vmul.f32 v11, v26  }
0xf9: {  	v47 =	vadd.s32 $0xB, v7;
	v48 =	vand.u32 $0xFFFFFF80, v46  }
0xfa: {  	v50 =	vadd.s32 $0x7, v7;
	v11 =	vadd.f32 v11, v12;
	v10 =	vmul.f32 v10, v1  }
0xfb: {  	v49 =	vand.u32 $0xFFFFFF80, v47;
	v15 =	vand.u32 $0x7F, v46;
	v12 =	vadd.s32 v2, v48  }
0xfc: {  	v10 =	vadd.f32 v11, v10;
	v11 =	vor.u32 $0x6, v2;
	v8 =	vmul.f32 v8, v0  }
0xfd: {  	v16 =	vand.u32 $0x7F, v47;
	v17 =	vadd.s32 v2, v49;
	v12 =	vor.u32 v15, v12  }
0xfe: {  	v16 =	vor.u32 v16, v17;
	v8 =	vadd.f32 v10, v8;
	v10 =	vand.u32 $0xFFFFFF80, v50  }
0xff: {  	v7 =	vadd.s32 $0xF, v7;
	v15 =	vand.u32 $0x7F, v50;
	v10 =	vadd.s32 v2, v10  }
0x100: {  	v51 =	vand.u32 $0xFFFFFF80, v7;
	v10 =	vor.u32 v15, v10  }
0x101: {  	v7 =	vand.u32 $0x7F, v7;
	[tilespmem:v11+s18+$0x0] =	vst.idx.msk $0xffff, v8;
	v8 =	vadd.s32 v2, v51  }
0x102: {  	v7 =	vor.u32 v7, v8;
	v8 =	vld.idx.msk [tilespmem:v12+s14+$0x0], $0xffff  }
0x103: {  	v11 =	vld.idx.msk [tilespmem:v16+s14+$0x0], $0xffff;
	_ =	sdelay $0x1  }
0x104: {  	v10 =	vld.idx.msk [tilespmem:v10+s14+$0x0], $0xffff;
	_ =	sdelay $0x2  }
0x105: {  	v7 =	vld.idx.msk [tilespmem:v7+s14+$0x0], $0xffff;
	v8 =	vmul.f32 v8, v25;
	v11 =	vmul.f32 v11, v26  }
0x106: {  	v53 =	vadd.s32 $0x8, v3;
	v52 =	vand.u32 $0xFFFFFF80, v3  }
0x107: {  	v8 =	vadd.f32 v11, v8;
	v11 =	vand.u32 $0xFFFFFF80, v53;
	v1 =	vmul.f32 v10, v1  }
0x108: {  	v54 =	vor.u32 $0x7, v2;
	v13 =	vand.u32 $0x7F, v53;
	v11 =	vadd.s32 v2, v11  }
0x109: {  	v10 =	vadd.s32 v2, v52;
	v11 =	vor.u32 v13, v11;
	v1 =	vadd.f32 v8, v1  }
0x10a: {  	v8 =	vand.u32 $0x7F, v3;
	v0 =	vmul.f32 v7, v0;
	v7 =	vadd.s32 $0x4, v3  }
0x10b: {  	v8 =	vor.u32 v8, v10;
	v10 =	vand.u32 $0xFFFFFF80, v7;
	v7 =	vand.u32 $0x7F, v7  }
0x10c: {  	v10 =	vadd.s32 v2, v10;
	v0 =	vadd.f32 v1, v0;
	v1 =	vadd.s32 $0xC, v3  }
0x10d: {  	v7 =	vor.u32 v7, v10;
	v10 =	vand.u32 $0xFFFFFF80, v1  }
0x10e: {  	v1 =	vand.u32 $0x7F, v1;
	[tilespmem:v54+s18+$0x0] =	vst.idx.msk $0xffff, v0;
	v0 =	vadd.s32 v2, v10  }
0x10f: {  	v0 =	vor.u32 v1, v0;
	v1 =	vld.idx.msk [tilespmem:v11+s16+$0x0], $0xffff  }
0x110: {  	v10 =	vld.idx.msk [tilespmem:v8+s16+$0x0], $0xffff;
	_ =	sdelay $0x1  }
0x111: {  	v11 =	vld.idx.msk [tilespmem:v7+s16+$0x0], $0xffff  }
0x112: {  	v8 =	vmul.f32 v6, v5;
	v7 =	vmul.f32 v9, v5  }
0x113: {  	v9 =	vmul.f32 v9, v4  }
0x114: {  	v56 =	vadd.s32 $0x1, v3;
	v0 =	vld.idx.msk [tilespmem:v0+s16+$0x0], $0xffff;
	v1 =	vmul.f32 v1, v8;
	v5 =	vmul.f32 v10, v7  }
0x115: {  	v13 =	vand.u32 $0x7F, v56;
	v4 =	vmul.f32 v6, v4;
	v6 =	vand.u32 $0xFFFFFF80, v56  }
0x116: {  	v10 =	vadd.s32 $0x9, v3;
	v1 =	vadd.f32 v1, v5;
	v5 =	vmul.f32 v11, v9  }
0x117: {  	v6 =	vadd.s32 v2, v6;
	v55 =	vand.u32 $0xFFFFFF80, v10;
	v10 =	vand.u32 $0x7F, v10  }
0x118: {  	v12 =	vadd.s32 v2, v55;
	v1 =	vadd.f32 v1, v5;
	v5 =	vor.u32 $0x8, v2  }
0x119: {  	v11 =	vadd.s32 $0x5, v3;
	v10 =	vor.u32 v10, v12;
	v0 =	vmul.f32 v0, v4  }
0x11a: {  	v6 =	vor.u32 v13, v6;
	v57 =	vand.u32 $0xFFFFFF80, v11  }
0x11b: {  	v11 =	vand.u32 $0x7F, v11;
	v12 =	vadd.s32 v2, v57;
	v0 =	vadd.f32 v1, v0  }
0x11c: {  	v11 =	vor.u32 v11, v12;
	v1 =	vadd.s32 $0xD, v3  }
0x11d: {  	v58 =	vand.u32 $0xFFFFFF80, v1;
	[tilespmem:v5+s18+$0x0] =	vst.idx.msk $0xffff, v0  }
0x11e: {  	v1 =	vand.u32 $0x7F, v1;
	v0 =	vadd.s32 v2, v58;
	v5 =	vld.idx.msk [tilespmem:v10+s16+$0x0], $0xffff  }
0x11f: {  	v0 =	vor.u32 v1, v0;
	v1 =	vld.idx.msk [tilespmem:v6+s16+$0x0], $0xffff;
	_ =	sdelay $0x1  }
0x120: {  	v6 =	vld.idx.msk [tilespmem:v11+s16+$0x0], $0xffff;
	_ =	sdelay $0x2  }
0x121: {  	v0 =	vld.idx.msk [tilespmem:v0+s16+$0x0], $0xffff;
	v5 =	vmul.f32 v5, v8;
	v1 =	vmul.f32 v1, v7  }
0x122: {  	v10 =	vadd.s32 $0x2, v3;
	v11 =	vadd.s32 $0xA, v3  }
0x123: {  	v59 =	vand.u32 $0xFFFFFF80, v10;
	v1 =	vadd.f32 v5, v1;
	v5 =	vmul.f32 v6, v9  }
0x124: {  	v60 =	vand.u32 $0xFFFFFF80, v11;
	v10 =	vand.u32 $0x7F, v10;
	v11 =	vand.u32 $0x7F, v11  }
0x125: {  	v12 =	vadd.s32 v2, v59;
	v1 =	vadd.f32 v1, v5;
	v5 =	vor.u32 $0x9, v2  }
0x126: {  	v13 =	vadd.s32 v2, v60;
	v10 =	vor.u32 v10, v12;
	v0 =	vmul.f32 v0, v4  }
0x127: {  	v11 =	vor.u32 v11, v13;
	v6 =	vadd.s32 $0x6, v3  }
0x128: {  	v61 =	vand.u32 $0xFFFFFF80, v6;
	v0 =	vadd.f32 v1, v0  }
0x129: {  	v6 =	vand.u32 $0x7F, v6;
	v12 =	vadd.s32 v2, v61  }
0x12a: {  	v1 =	vor.u32 v6, v12;
	v6 =	vadd.s32 $0xE, v3;
	[tilespmem:v5+s18+$0x0] =	vst.idx.msk $0xffff, v0  }
0x12b: {  	v0 =	vand.u32 $0xFFFFFF80, v6;
	v5 =	vld.idx.msk [tilespmem:v10+s16+$0x0], $0xffff  }
0x12c: {  	v6 =	vand.u32 $0x7F, v6;
	v0 =	vadd.s32 v2, v0;
	v10 =	vld.idx.msk [tilespmem:v11+s16+$0x0], $0xffff  }
0x12d: {  	v0 =	vor.u32 v6, v0;
	_ =	sdelay $0x1  }
0x12e: {  	v1 =	vld.idx.msk [tilespmem:v1+s16+$0x0], $0xffff;
	_ =	sdelay $0x1  }
0x12f: {  	v5 =	vmul.f32 v5, v7;
	v6 =	vmul.f32 v10, v8  }
0x130: {  	v10 =	vadd.s32 $0x3, v3;
	v0 =	vld.idx.msk [tilespmem:v0+s16+$0x0], $0xffff  }
0x131: {  	v11 =	vand.u32 $0xFFFFFF80, v10;
	v10 =	vand.u32 $0x7F, v10;
	v5 =	vadd.f32 v6, v5  }
0x132: {  	v1 =	vmul.f32 v1, v9;
	v6 =	vadd.s32 v2, v11;
	v11 =	vadd.s32 $0xB, v3  }
0x133: {  	v62 =	vadd.s32 $0x7, v3;
	v63 =	vand.u32 $0xFFFFFF80, v11;
	v6 =	vor.u32 v10, v6  }
0x134: {  	v10 =	vor.u32 $0xA, v2;
	v11 =	vand.u32 $0x7F, v11;
	v1 =	vadd.f32 v5, v1  }
0x135: {  	v5 =	vand.u32 $0xFFFFFF80, v62;
	v13 =	vadd.s32 v2, v63;
	v0 =	vmul.f32 v0, v4  }
0x136: {  	v12 =	vand.u32 $0x7F, v62;
	v11 =	vor.u32 v11, v13;
	v5 =	vadd.s32 v2, v5  }
0x137: {  	v0 =	vadd.f32 v1, v0;
	v1 =	vor.u32 v12, v5  }
0x138: {  	v3 =	vadd.s32 $0xF, v3  }
0x139: {  	v5 =	vand.u32 $0xFFFFFF80, v3;
	[tilespmem:v10+s18+$0x0] =	vst.idx.msk $0xffff, v0  }
0x13a: {  	v5 =	vadd.s32 v2, v5;
	v0 =	vld.idx.msk [tilespmem:v6+s16+$0x0], $0xffff;
	v6 =	vand.u32 $0x7F, v3  }
0x13b: {  	s28 =	simm.s32 $0x4310;
	v3 =	vld.idx.msk [tilespmem:v11+s16+$0x0], $0xffff;
	v5 =	vor.u32 v6, v5  }
0x13c: {  	s29 =	simm.s32 $0x4390;
	s30 =	simm.s32 $0x4410;
	s26 =	simm.s32 $0x10;
	v1 =	vld.idx.msk [tilespmem:v1+s16+$0x0], $0xffff  }
.LBB2_6:
0x13d: {  	_ =	sdelay $0x2  }
0x13e: {  	v5 =	vld.idx.msk [tilespmem:v5+s16+$0x0], $0xffff  }
0x13f: {  	v0 =	vmul.f32 v0, v7;
	v3 =	vmul.f32 v3, v8;
	_ =	sdelay $0x1  }
0x140: {  	v1 =	vmul.f32 v1, v9;
	v0 =	vadd.f32 v3, v0  }
0x141: {  	v2 =	vor.u32 $0xB, v2  }
0x142: {  	v0 =	vadd.f32 v0, v1;
	v1 =	vmul.f32 v5, v4;
	_ =	sdelay $0x1  }
0x143: {  	v0 =	vadd.f32 v0, v1;
	_ =	sdelay $0x1  }
0x144: {  	[tilespmem:v2+s18+$0x0] =	vst.idx.msk $0xffff, v0  }
0x145: {  	v0 =	vld [tilespmem:s28+$0x0]  }
0x146: {  	s31 =	smov.u32 s26  }
0x147: {  	v1 =	vmov s31  }
0x148: {  	v1 =	vshll.u32 v1, $0x7  }
0x149: {  	v2 =	vor.u32 v21, v1  }
0x14a: {  	v3 =	vand.u32 $0xFFFFFF80, v0;
	v4 =	vadd.s32 $0x4, v0;
	v5 =	vadd.s32 $0x8, v0  }
0x14b: {  	v6 =	vand.u32 $0x7F, v0;
	v9 =	vadd.s32 $0xC, v0;
	v14 =	vadd.s32 $0x1, v0  }
0x14c: {  	v13 =	vadd.s32 $0x9, v0;
	v1 =	vand.u32 $0xFFFFFF80, v5;
	v3 =	vadd.s32 v2, v3  }
0x14d: {  	s23 =	sadd.s32 $0x10, s23;
	v5 =	vand.u32 $0x7F, v5;
	v1 =	vadd.s32 v2, v1;
	v6 =	vor.u32 v6, v3  }
0x14e: {  	s24 =	sadd.s32 $0x10, s24;
	v8 =	vld [tilespmem:s23+$0x0];
	v17 =	vadd.s32 $0x5, v0;
	v7 =	vand.u32 $0xFFFFFF80, v4;
	v1 =	vor.u32 v5, v1  }
0x14f: {  	v42 =	vld [tilespmem:s24+$0x0];
	v4 =	vand.u32 $0x7F, v4;
	v7 =	vadd.s32 v2, v7;
	v5 =	vand.u32 $0xFFFFFF80, v9  }
0x150: {  	v9 =	vand.u32 $0x7F, v9;
	v7 =	vor.u32 v4, v7;
	v5 =	vadd.s32 v2, v5  }
0x151: {  	v18 =	vadd.s32 $0xD, v0;
	v23 =	vadd.s32 $0x2, v0;
	v5 =	vor.u32 v9, v5  }
0x152: {  	v24 =	vadd.s32 $0xA, v0;
	v26 =	vadd.s32 $0x6, v0;
	v4 =	vand.u32 $0xFFFFFF80, v14;
	v6 =	vld.idx.msk [tilespmem:v6+s12+$0x0], $0xffff  }
0x153: {  	v29 =	vadd.s32 $0xE, v0;
	v15 =	vadd.s32 v2, v4;
	v9 =	vand.u32 $0xFFFFFF80, v13;
	v1 =	vld.idx.msk [tilespmem:v1+s12+$0x0], $0xffff  }
0x154: {  	v4 =	vsub.f32 $1.000000000e+00, v42;
	v16 =	vadd.s32 v2, v9;
	v9 =	vsub.f32 $1.000000000e+00, v8  }
0x155: {  	v10 =	vand.u32 $0xFFFFFF80, v17;
	v11 =	vand.u32 $0xFFFFFF80, v18;
	v20 =	vand.u32 $0xFFFFFF80, v23;
	v7 =	vld.idx.msk [tilespmem:v7+s12+$0x0], $0xffff  }
0x156: {  	v19 =	vadd.s32 v2, v10;
	v10 =	vmul.f32 v9, v4;
	v12 =	vmul.f32 v9, v42;
	v5 =	vld.idx.msk [tilespmem:v5+s12+$0x0], $0xffff  }
0x157: {  	v21 =	vadd.s32 v2, v11;
	v25 =	vadd.s32 v2, v20;
	v11 =	vmul.f32 v8, v4  }
0x158: {  	v20 =	vand.u32 $0xFFFFFF80, v24;
	v6 =	vmul.f32 v6, v10;
	v1 =	vmul.f32 v1, v12  }
0x159: {  	v27 =	vadd.s32 v2, v20;
	v20 =	vand.u32 $0x7F, v13;
	v13 =	vmul.f32 v8, v42  }
0x15a: {  	v22 =	vand.u32 $0xFFFFFF80, v26;
	v1 =	vadd.f32 v1, v6;
	v6 =	vmul.f32 v7, v11  }
0x15b: {  	v14 =	vand.u32 $0x7F, v14;
	v7 =	vand.u32 $0xFFFFFF80, v29;
	v5 =	vmul.f32 v5, v13  }
0x15c: {  	v30 =	vadd.s32 v2, v7;
	v7 =	vor.u32 v14, v15;
	v1 =	vadd.f32 v1, v6  }
0x15d: {  	v28 =	vadd.s32 v2, v22;
	v22 =	vor.u32 v20, v16  }
0x15e: {  	v31 =	vand.u32 $0x7F, v17;
	v15 =	vld [tilespmem:s29+$0x0];
	v1 =	vadd.f32 v1, v5  }
0x15f: {  	s25 =	sadd.s32 $0x10, s25;
	v31 =	vor.u32 v31, v19;
	v6 =	vld [tilespmem:s30+$0x0]  }
0x160: {  	v14 =	vadd.s32 $0xB, v0;
	v5 =	vld [tilespmem:s25+$0x0];
	[tilespmem:v2+s18+$0x0] =	vst.idx.msk $0xffff, v1;
	v1 =	vand.u32 $0x7F, v18  }
0x161: {  	v37 =	vadd.s32 $0xF, v0;
	v20 =	vand.u32 $0xFFFFFF80, v14;
	v33 =	vld.idx.msk [tilespmem:v7+s12+$0x0], $0xffff;
	v1 =	vor.u32 v1, v21  }
0x162: {  	v16 =	vadd.s32 $0x3, v0;
	v17 =	vadd.s32 v2, v20;
	v20 =	vadd.s32 $0x7, v0;
	v0 =	vld.idx.msk [tilespmem:v22+s12+$0x0], $0xffff;
	_ =	sdelay $0x1  }
0x163: {  	v31 =	vld.idx.msk [tilespmem:v31+s12+$0x0], $0xffff;
	_ =	sdelay $0x1  }
0x164: {  	v39 =	vld.idx.msk [tilespmem:v1+s12+$0x0], $0xffff  }
0x165: {  	v33 =	vmul.f32 v33, v10;
	v50 =	vmul.f32 v0, v12  }
0x166: {  	v56 =	vor.u32 $0x1, v2  }
0x167: {  	v23 =	vand.u32 $0x7F, v23;
	v31 =	vmul.f32 v31, v11;
	v33 =	vadd.f32 v50, v33  }
0x168: {  	v26 =	vand.u32 $0x7F, v26;
	v24 =	vand.u32 $0x7F, v24;
	v23 =	vor.u32 v23, v25  }
0x169: {  	v24 =	vor.u32 v24, v27;
	v31 =	vadd.f32 v33, v31;
	v58 =	vmul.f32 v39, v13  }
0x16a: {  	v45 =	vand.u32 $0xFFFFFF80, v16;
	v16 =	vand.u32 $0x7F, v16;
	v36 =	vadd.s32 $0x8, v15  }
0x16b: {  	v22 =	vand.u32 $0xFFFFFF80, v37;
	v38 =	vand.u32 $0xFFFFFF80, v36;
	v31 =	vadd.f32 v31, v58  }
0x16c: {  	v36 =	vand.u32 $0x7F, v36;
	v38 =	vadd.s32 v2, v38;
	v33 =	vor.u32 v26, v28  }
0x16d: {  	v41 =	vadd.s32 v2, v22;
	v22 =	vor.u32 v36, v38;
	v36 =	vand.u32 $0x7F, v29;
	[tilespmem:v56+s18+$0x0] =	vst.idx.msk $0xffff, v31  }
0x16e: {  	v32 =	vadd.s32 v2, v45;
	v14 =	vand.u32 $0x7F, v14;
	v26 =	vor.u32 v36, v30;
	v23 =	vld.idx.msk [tilespmem:v23+s12+$0x0], $0xffff  }
0x16f: {  	v16 =	vor.u32 v16, v32;
	v46 =	vand.u32 $0xFFFFFF80, v20;
	v14 =	vor.u32 v14, v17;
	v24 =	vld.idx.msk [tilespmem:v24+s12+$0x0], $0xffff  }
0x170: {  	v34 =	vadd.s32 v2, v46;
	v18 =	vadd.s32 $0x4, v15;
	v3 =	vadd.s32 $0xC, v15  }
0x171: {  	v51 =	vadd.s32 $0x1, v15;
	v52 =	vadd.s32 $0x5, v15;
	v50 =	vadd.s32 $0x6, v15;
	v25 =	vld.idx.msk [tilespmem:v33+s12+$0x0], $0xffff  }
0x172: {  	v61 =	vadd.s32 $0xD, v15;
	v45 =	vadd.s32 $0x8, v6;
	v40 =	vand.u32 $0xFFFFFF80, v50  }
0x173: {  	v38 =	vand.u32 $0xFFFFFF80, v61;
	v36 =	vadd.s32 $0x7, v15;
	v56 =	vadd.s32 v2, v40;
	v26 =	vld.idx.msk [tilespmem:v26+s12+$0x0], $0xffff  }
0x174: {  	v40 =	vadd.s32 $0xB, v15;
	v23 =	vmul.f32 v23, v10;
	v24 =	vmul.f32 v24, v12  }
0x175: {  	v63 =	vadd.s32 v2, v38;
	v33 =	vand.u32 $0xFFFFFF80, v36;
	v38 =	vand.u32 $0xFFFFFF80, v40  }
0x176: {  	v30 =	vadd.s32 v2, v38;
	v38 =	vmul.f32 v25, v11;
	v23 =	vadd.f32 v24, v23  }
0x177: {  	v57 =	vadd.s32 $0x9, v15;
	v28 =	vand.u32 $0xFFFFFF80, v45;
	v25 =	vor.u32 $0x2, v2  }
0x178: {  	v29 =	vadd.s32 v2, v33;
	v33 =	vmovc v45;
	v45 =	vmul.f32 v26, v13;
	v23 =	vadd.f32 v23, v38  }
0x179: {  	v48 =	vadd.s32 $0x2, v15;
	v49 =	vadd.s32 $0xE, v15;
	v31 =	vand.u32 $0x7F, v20  }
0x17a: {  	v35 =	vand.u32 $0xFFFFFF80, v6;
	v17 =	vor.u32 v31, v34;
	v20 =	vadd.f32 v23, v45  }
0x17b: {  	v7 =	vand.u32 $0xFFFFFF80, v15;
	v21 =	vand.u32 $0xFFFFFF80, v18;
	v23 =	vand.u32 $0x7F, v37  }
0x17c: {  	v0 =	vadd.s32 v2, v35;
	v38 =	vadd.s32 $0x4, v6;
	v23 =	vor.u32 v23, v41;
	[tilespmem:v25+s18+$0x0] =	vst.idx.msk $0xffff, v20  }
0x17d: {  	v35 =	vadd.s32 v2, v28;
	v26 =	vadd.s32 $0x9, v6;
	v20 =	vand.u32 $0xFFFFFF80, v38;
	v25 =	vld.idx.msk [tilespmem:v14+s12+$0x0], $0xffff  }
0x17e: {  	v28 =	vadd.s32 $0xD, v6;
	v34 =	vand.u32 $0xFFFFFF80, v26;
	v45 =	vadd.s32 v2, v20;
	v20 =	vld.idx.msk [tilespmem:v16+s12+$0x0], $0xffff  }
0x17f: {  	v47 =	vand.u32 $0xFFFFFF80, v3;
	[tilespmem:$0x1FF90] =	vst v0;
	v0 =	vadd.s32 v2, v34;
	v24 =	vld.idx.msk [tilespmem:v17+s12+$0x0], $0xffff;
	v17 =	vand.u32 $0xFFFFFF80, v28  }
0x180: {  	v59 =	vand.u32 $0xFFFFFF80, v52;
	[tilespmem:$0x1FFA0] =	vst v0;
	v0 =	vadd.s32 v2, v17;
	v17 =	vadd.s32 $0xA, v6  }
0x181: {  	v19 =	vadd.s32 v2, v7;
	v43 =	vadd.s32 v2, v21;
	[tilespmem:$0x1FFB0] =	vst v0;
	v0 =	vand.u32 $0xFFFFFF80, v17;
	v1 =	vld.idx.msk [tilespmem:v23+s12+$0x0], $0xffff  }
0x182: {  	v7 =	vadd.s32 v2, v47;
	v62 =	vadd.s32 v2, v59;
	v0 =	vadd.s32 v2, v0  }
0x183: {  	v39 =	vand.u32 $0xFFFFFF80, v48;
	[tilespmem:$0x1FFC0] =	vst v0;
	v12 =	vmul.f32 v25, v12;
	v0 =	vmul.f32 v20, v10  }
0x184: {  	v21 =	vadd.s32 $0x3, v6;
	v53 =	vadd.s32 v2, v39;
	v39 =	vadd.s32 $0x3, v15  }
0x185: {  	v58 =	vadd.s32 $0xA, v15;
	v11 =	vmul.f32 v24, v11;
	v0 =	vadd.f32 v12, v0  }
0x186: {  	v12 =	vor.u32 $0x3, v2;
	v1 =	vmul.f32 v1, v13;
	v13 =	vand.u32 $0x7F, v15  }
0x187: {  	v44 =	vand.u32 $0xFFFFFF80, v58;
	v0 =	vadd.f32 v0, v11;
	v13 =	vor.u32 v13, v19  }
0x188: {  	v59 =	vadd.s32 v2, v44;
	v44 =	vadd.s32 $0xF, v15;
	v14 =	vadd.s32 $0x6, v6  }
0x189: {  	v10 =	vand.u32 $0xFFFFFF80, v14;
	v15 =	vand.u32 $0x7F, v18;
	v0 =	vadd.f32 v0, v1  }
0x18a: {  	v20 =	vadd.s32 $0xE, v6;
	v24 =	vadd.s32 v2, v10;
	v18 =	vor.u32 v15, v43  }
0x18b: {  	v10 =	vand.u32 $0xFFFFFF80, v20;
	v11 =	vand.u32 $0xFFFFFF80, v21;
	v1 =	vand.u32 $0x7F, v3;
	[tilespmem:v12+s18+$0x0] =	vst.idx.msk $0xffff, v0  }
0x18c: {  	v25 =	vadd.s32 v2, v10;
	v10 =	vadd.s32 v2, v11;
	v7 =	vor.u32 v1, v7;
	v12 =	vld.idx.msk [tilespmem:v13+s14+$0x0], $0xffff  }
0x18d: {  	v19 =	vadd.s32 $0xB, v6;
	v15 =	vadd.s32 $0xF, v6;
	[tilespmem:$0x1FFD0] =	vst v10;
	v10 =	vadd.s32 $0x7, v6;
	v13 =	vld.idx.msk [tilespmem:v22+s14+$0x0], $0xffff  }
0x18e: {  	v3 =	vand.u32 $0xFFFFFF80, v19;
	v1 =	vsub.f32 $1.000000000e+00, v5;
	v0 =	vand.u32 $0xFFFFFF80, v10  }
0x18f: {  	v11 =	vadd.s32 v2, v3;
	v3 =	vadd.s32 v2, v0;
	v0 =	vand.u32 $0xFFFFFF80, v15;
	v18 =	vld.idx.msk [tilespmem:v18+s14+$0x0], $0xffff  }
0x190: {  	v43 =	vmul.f32 v1, v8;
	v22 =	vadd.s32 v2, v0;
	v0 =	vmul.f32 v1, v9  }
0x191: {  	v9 =	vmul.f32 v5, v9;
	v7 =	vld.idx.msk [tilespmem:v7+s14+$0x0], $0xffff  }
0x192: {  	v54 =	vand.u32 $0xFFFFFF80, v51;
	v12 =	vmul.f32 v12, v0;
	v13 =	vmul.f32 v13, v43  }
0x193: {  	v55 =	vand.u32 $0xFFFFFF80, v57;
	v51 =	vand.u32 $0x7F, v51;
	v57 =	vand.u32 $0x7F, v57  }
0x194: {  	v8 =	vmul.f32 v5, v8;
	v12 =	vadd.f32 v13, v12;
	v13 =	vmul.f32 v18, v9  }
0x195: {  	v54 =	vadd.s32 v2, v54;
	v60 =	vadd.s32 v2, v55;
	v18 =	vor.u32 $0x4, v2  }
0x196: {  	v7 =	vmul.f32 v7, v8;
	v12 =	vadd.f32 v12, v13;
	v13 =	vor.u32 v51, v54  }
0x197: {  	v60 =	vor.u32 v57, v60  }
0x198: {  	v51 =	vand.u32 $0x7F, v52;
	v7 =	vadd.f32 v12, v7  }
0x199: {  	v51 =	vor.u32 v51, v62  }
0x19a: {  	[tilespmem:v18+s18+$0x0] =	vst.idx.msk $0xffff, v7;
	v7 =	vand.u32 $0x7F, v61  }
0x19b: {  	v13 =	vld.idx.msk [tilespmem:v13+s14+$0x0], $0xffff;
	v7 =	vor.u32 v7, v63  }
0x19c: {  	v18 =	vld.idx.msk [tilespmem:v60+s14+$0x0], $0xffff;
	_ =	sdelay $0x1  }
0x19d: {  	v12 =	vld.idx.msk [tilespmem:v51+s14+$0x0], $0xffff;
	_ =	sdelay $0x1  }
0x19e: {  	v7 =	vld.idx.msk [tilespmem:v7+s14+$0x0], $0xffff  }
0x19f: {  	v13 =	vmul.f32 v13, v0;
	v18 =	vmul.f32 v18, v43;
	_ =	sdelay $0x1  }
0x1a0: {  	v12 =	vmul.f32 v12, v9;
	v13 =	vadd.f32 v18, v13  }
0x1a1: {  	v48 =	vand.u32 $0x7F, v48;
	v57 =	vand.u32 $0x7F, v58;
	v54 =	vor.u32 $0x5, v2  }
0x1a2: {  	v58 =	vor.u32 v48, v53;
	v12 =	vadd.f32 v13, v12;
	v7 =	vmul.f32 v7, v8  }
0x1a3: {  	v60 =	vor.u32 v57, v59  }
0x1a4: {  	v61 =	vand.u32 $0x7F, v50;
	v7 =	vadd.f32 v12, v7  }
0x1a5: {  	v46 =	vand.u32 $0xFFFFFF80, v49;
	v12 =	vor.u32 v61, v56  }
0x1a6: {  	v55 =	vadd.s32 v2, v46;
	[tilespmem:v54+s18+$0x0] =	vst.idx.msk $0xffff, v7;
	v7 =	vand.u32 $0x7F, v49  }
0x1a7: {  	v13 =	vld.idx.msk [tilespmem:v58+s14+$0x0], $0xffff;
	v7 =	vor.u32 v7, v55  }
0x1a8: {  	v18 =	vld.idx.msk [tilespmem:v60+s14+$0x0], $0xffff;
	_ =	sdelay $0x1  }
0x1a9: {  	v12 =	vld.idx.msk [tilespmem:v12+s14+$0x0], $0xffff;
	_ =	sdelay $0x1  }
0x1aa: {  	v7 =	vld.idx.msk [tilespmem:v7+s14+$0x0], $0xffff  }
0x1ab: {  	v13 =	vmul.f32 v13, v0;
	v18 =	vmul.f32 v18, v43  }
0x1ac: {  	v47 =	vand.u32 $0xFFFFFF80, v39  }
0x1ad: {  	v39 =	vand.u32 $0x7F, v39;
	v13 =	vadd.f32 v18, v13;
	v12 =	vmul.f32 v12, v9  }
0x1ae: {  	v46 =	vadd.s32 v2, v47;
	v40 =	vand.u32 $0x7F, v40;
	v62 =	vor.u32 $0x6, v2  }
0x1af: {  	v63 =	vor.u32 v39, v46;
	v12 =	vadd.f32 v13, v12;
	v7 =	vmul.f32 v7, v8  }
0x1b0: {  	v30 =	vor.u32 v40, v30  }
0x1b1: {  	v36 =	vand.u32 $0x7F, v36;
	v7 =	vadd.f32 v12, v7  }
0x1b2: {  	v47 =	vand.u32 $0xFFFFFF80, v44;
	v40 =	vor.u32 v36, v29  }
0x1b3: {  	v47 =	vadd.s32 v2, v47;
	v46 =	vand.u32 $0x7F, v44;
	[tilespmem:v62+s18+$0x0] =	vst.idx.msk $0xffff, v7  }
0x1b4: {  	v29 =	vor.u32 v46, v47;
	v7 =	vld.idx.msk [tilespmem:v63+s14+$0x0], $0xffff  }
0x1b5: {  	v48 =	vld.idx.msk [tilespmem:v30+s14+$0x0], $0xffff;
	_ =	sdelay $0x1  }
0x1b6: {  	v12 =	vld.idx.msk [tilespmem:v40+s14+$0x0], $0xffff;
	_ =	sdelay $0x1  }
0x1b7: {  	v18 =	vld.idx.msk [tilespmem:v29+s14+$0x0], $0xffff  }
0x1b8: {  	v0 =	vmul.f32 v7, v0;
	v7 =	vmul.f32 v48, v43;
	_ =	sdelay $0x1  }
0x1b9: {  	v0 =	vadd.f32 v7, v0;
	v7 =	vmul.f32 v12, v9;
	_ =	sdelay $0x1  }
0x1ba: {  	v0 =	vadd.f32 v0, v7;
	v7 =	vmul.f32 v18, v8;
	v8 =	vld [tilespmem:$0x1FF90]  }
0x1bb: {  	v27 =	vadd.s32 $0x5, v6;
	v37 =	vadd.s32 $0xC, v6  }
0x1bc: {  	v32 =	vand.u32 $0xFFFFFF80, v37;
	v16 =	vand.u32 $0xFFFFFF80, v27  }
0x1bd: {  	v31 =	vadd.s32 $0x1, v6;
	v41 =	vadd.s32 v2, v32;
	v32 =	vadd.s32 v2, v16  }
0x1be: {  	v16 =	vadd.s32 $0x2, v6;
	v6 =	vand.u32 $0x7F, v6;
	v9 =	vor.u32 $0x7, v2  }
0x1bf: {  	v49 =	vand.u32 $0x7F, v33;
	v6 =	vor.u32 v6, v8  }
0x1c0: {  	v12 =	vor.u32 v49, v35  }
0x1c1: {  	v0 =	vadd.f32 v0, v7;
	v8 =	vand.u32 $0x7F, v38  }
0x1c2: {  	v7 =	vor.u32 v8, v45;
	v8 =	vand.u32 $0x7F, v37  }
0x1c3: {  	[tilespmem:v9+s18+$0x0] =	vst.idx.msk $0xffff, v0;
	v8 =	vor.u32 v8, v41  }
0x1c4: {  	v0 =	vld.idx.msk [tilespmem:v6+s16+$0x0], $0xffff  }
0x1c5: {  	v6 =	vld.idx.msk [tilespmem:v12+s16+$0x0], $0xffff  }
0x1c6: {  	v53 =	vld [tilespmem:$0x1FFA0]  }
0x1c7: {  	v50 =	vld.idx.msk [tilespmem:v7+s16+$0x0], $0xffff  }
0x1c8: {  	v7 =	vmul.f32 v1, v4;
	v51 =	vld.idx.msk [tilespmem:v8+s16+$0x0], $0xffff;
	v8 =	vmul.f32 v5, v4  }
0x1c9: {  	v9 =	vmul.f32 v1, v42  }
0x1ca: {  	v0 =	vmul.f32 v0, v7;
	v1 =	vmul.f32 v6, v8  }
0x1cb: {  	v34 =	vand.u32 $0xFFFFFF80, v31;
	v52 =	vand.u32 $0x7F, v26  }
0x1cc: {  	v4 =	vmul.f32 v5, v42;
	v0 =	vadd.f32 v1, v0;
	v1 =	vmul.f32 v50, v9  }
0x1cd: {  	v34 =	vadd.s32 v2, v34;
	v12 =	vor.u32 v52, v53;
	v5 =	vor.u32 $0x8, v2  }
0x1ce: {  	v56 =	vld [tilespmem:$0x1FFB0];
	v6 =	vand.u32 $0x7F, v31;
	v0 =	vadd.f32 v0, v1;
	v1 =	vmul.f32 v51, v4  }
0x1cf: {  	v6 =	vor.u32 v6, v34  }
0x1d0: {  	v54 =	vand.u32 $0x7F, v27;
	v0 =	vadd.f32 v0, v1  }
0x1d1: {  	v1 =	vor.u32 v54, v32  }
0x1d2: {  	v55 =	vand.u32 $0x7F, v28;
	[tilespmem:v5+s18+$0x0] =	vst.idx.msk $0xffff, v0  }
0x1d3: {  	v13 =	vor.u32 v55, v56;
	v0 =	vld.idx.msk [tilespmem:v12+s16+$0x0], $0xffff  }
0x1d4: {  	v5 =	vld.idx.msk [tilespmem:v6+s16+$0x0], $0xffff;
	_ =	sdelay $0x1  }
0x1d5: {  	v1 =	vld.idx.msk [tilespmem:v1+s16+$0x0], $0xffff;
	_ =	sdelay $0x1  }
0x1d6: {  	v6 =	vld.idx.msk [tilespmem:v13+s16+$0x0], $0xffff  }
0x1d7: {  	v60 =	vld [tilespmem:$0x1FFC0];
	v0 =	vmul.f32 v0, v8;
	v5 =	vmul.f32 v5, v7  }
0x1d8: {  	v23 =	vand.u32 $0xFFFFFF80, v16  }
0x1d9: {  	v23 =	vadd.s32 v2, v23;
	v0 =	vadd.f32 v0, v5;
	v1 =	vmul.f32 v1, v9  }
0x1da: {  	v57 =	vand.u32 $0x7F, v16;
	v58 =	vand.u32 $0x7F, v17;
	v5 =	vor.u32 $0x9, v2  }
0x1db: {  	v0 =	vadd.f32 v0, v1;
	v1 =	vmul.f32 v6, v4;
	v6 =	vor.u32 v57, v23  }
0x1dc: {  	v13 =	vor.u32 v58, v60  }
0x1dd: {  	v59 =	vand.u32 $0x7F, v14;
	v0 =	vadd.f32 v0, v1  }
0x1de: {  	v1 =	vor.u32 v59, v24  }
0x1df: {  	v61 =	vand.u32 $0x7F, v20;
	[tilespmem:v5+s18+$0x0] =	vst.idx.msk $0xffff, v0  }
0x1e0: {  	v12 =	vor.u32 v61, v25;
	v0 =	vld.idx.msk [tilespmem:v6+s16+$0x0], $0xffff  }
0x1e1: {  	v5 =	vld.idx.msk [tilespmem:v13+s16+$0x0], $0xffff;
	_ =	sdelay $0x1  }
0x1e2: {  	v1 =	vld.idx.msk [tilespmem:v1+s16+$0x0], $0xffff;
	_ =	sdelay $0x1  }
0x1e3: {  	v6 =	vld.idx.msk [tilespmem:v12+s16+$0x0], $0xffff  }
0x1e4: {  	v0 =	vmul.f32 v0, v7;
	v5 =	vmul.f32 v5, v8;
	_ =	sdelay $0x1  }
0x1e5: {  	v0 =	vadd.f32 v5, v0;
	v1 =	vmul.f32 v1, v9;
	_ =	sdelay $0x1  }
0x1e6: {  	v0 =	vadd.f32 v0, v1;
	v1 =	vmul.f32 v6, v4;
	v6 =	vld [tilespmem:$0x1FFD0];
	_ =	sdelay $0x3  }
0x1e7: {  	v62 =	vor.u32 $0xA, v2;
	v5 =	vand.u32 $0x7F, v21  }
0x1e8: {  	v63 =	vand.u32 $0x7F, v19;
	v6 =	vor.u32 v5, v6  }
0x1e9: {  	v5 =	vand.u32 $0x7F, v10;
	v10 =	vor.u32 v63, v11  }
0x1ea: {  	p0 =	sne.s32 s26, $0x70;
	v0 =	vadd.f32 v0, v1;
	v1 =	vor.u32 v5, v3  }
.Ltmp6:
0x1eb: {  	_ = 	snop;
	(pc) =	sbr.rel @p0 .LBB2_6-.Ltmp6, $4  }
0x1ec: {  	v21 =	vld [tilespmem:$0x1FFF0];
	[tilespmem:v62+s18+$0x0] =	vst.idx.msk $0xffff, v0  }
0x1ed: {  	v3 =	vand.u32 $0x7F, v15;
	v0 =	vld.idx.msk [tilespmem:v6+s16+$0x0], $0xffff  }
0x1ee: {  	s26 =	sadd.s32 $0x10, s26;
	v5 =	vor.u32 v3, v22;
	v3 =	vld.idx.msk [tilespmem:v10+s16+$0x0], $0xffff  }
0x1ef: {  	s28 =	sadd.s32 $0x10, s28;
	s29 =	sadd.s32 $0x10, s29;
	s30 =	sadd.s32 $0x10, s30;
	v1 =	vld.idx.msk [tilespmem:v1+s16+$0x0], $0xffff  }
0x1f0: {  	_ =	sdelay $0x3  }
0x1f1: {  	v5 =	vld.idx.msk [tilespmem:v5+s16+$0x0], $0xffff  }
0x1f2: {  	v0 =	vmul.f32 v0, v7;
	v3 =	vmul.f32 v3, v8;
	_ =	sdelay $0x1  }
0x1f3: {  	v1 =	vmul.f32 v1, v9;
	v0 =	vadd.f32 v3, v0  }
0x1f4: {  	v2 =	vor.u32 $0xB, v2  }
0x1f5: {  	v63 =	vmul.f32 v5, v4;
	v0 =	vadd.f32 v0, v1;
	_ =	sdelay $0x1  }
0x1f6: {  	v0 =	vadd.f32 v0, v63;
	_ =	sdelay $0x1  }
.Ltmp7:
0x1f7: {  	s22 =	sadd.s32 s6, s22;
	[tilespmem:v2+s18+$0x0] =	vst.idx.msk $0xffff, v0;
	(pc) =	sbr.rel .LBB2_8-.Ltmp7, $4  }
0x1f8: {  	[hbm4b:s22+s2] =	stream.linear.scatter [tilespmem:s18], [sflag:$0x2], $0x4000, $0x38;
	[tilespmem:$0x14480] =	vst v63  }
0x1f9: {  	_ =	swait.ge [sflag:s19], $0x4000  }
0x1fa: {  	[sflag:s19] =	ssyncset.done $0x0  }
0x1fb: {  	v20 =	vld [tilespmem:$0x1FFE0];
	[sflag:s19] =	ssyncadd.s32 $0xFFFFC000  }
.LBB2_10:
0x1fc: {  	_ =	sfence.sel $0x180000  }
0x1fd: {  	[bflag:$0x0] =	sbarrier.arrive $0xFFFF  }
0x1fe: {  	p0 =	sne.s32 s3, $0x0;
	_ =	strace $0x9000004A  }
0x1ff: {  	s0 =	sadd.s32 @!p0 $0x100000, s0;
	[bflag:$0x2] =	sbarrier.arrive $0xFFFF  }
0x200: {  	[sflag:s0] =	ssyncadd.tile.s32 @!p0 $0x1;
	_ =	shalt  }
.Lfunc_end2:
_tile_overlayer_lowered:
.L_overlay_start_2:
0x201: {  	(tag) =	ssettag $0x2  }
0x202: {  	s0 =	rddreg [dreg:$0x0];
	s2 =	stileid.u32  }
0x203: {  	s1 =	rddreg [dreg:$0x1];
	p0 =	sne.s32 s2, $0x0  }
0x204: {  	s3 =	rddreg [dreg:$0x2];
	[bflag:$0x3] =	sbarrier.arrive $0xFFFF;
	s2 =	simm.s32 @!p0 $0x1C02  }
0x205: {  	[timem:s3], [sflag:s2] =	dma.local @!p0 [hbm:s0], s1  }
0x206: {  	s0 =	simm.s32 @!p0 $0x2  }
0x207: {  	_ =	swait.ge @!p0 [sflag:s0], s1  }
0x208: {  	s1 =	ssub.s32 @!p0 $0x0, s1;
	[sflag:s0] =	ssyncset.done @!p0 $0x0  }
0x209: {  	[sflag:s0] =	ssyncadd.s32 @!p0 s1  }
0x20a: {  	[bflag:$0x3] =	sbarrier.arrive $0xFFFF  }
0x20b: {  	_ =	shalt  }

// kernel: sparse-core-data-format-call.cloned.1.call-start
scs
called_computation_lowered:
.L_overlay_start_0:
0x0: {  	s2 =	sld [smem:$0x3FD9]  }
0x1: {  	s3 =	sld [smem:$0x3FFE];
	_ =	sdelay $0x1  }
0x2: {  	s1 =	srdreg.scid  }
0x3: {  	s0 =	sand.u32 $0x1, s1  }
0x4: {  	s18 =	sshll.u32 s0, $0xA;
	s2 =	sadd.s32 s3, s2  }
0x5: {  	s2 =	sadd.s32 s2, s18  }
0x6: {  	[smem:$0x3FC6] =	sst s2  }
0x7: {  	_ = 	snop  }
0x8: {  	s2 =	sld [smem:$0x3FD0];
	(tm) =	ssettm $0x1  }
0x9: {  	s19 =	sld [smem:$0x3FFB];
	_ =	sdelay $0x3  }
0xa: {  	_ =	strace s19  }
0xb: {  	s3 =	sld [smem:$0x3FFC];
	_ =	sdelay $0x3  }
0xc: {  	_ =	strace s3  }
0xd: {  	s3 =	sld [smem:$0x3FFD];
	_ =	sdelay $0x3  }
0xe: {  	_ =	strace s3  }
0xf: {  	_ =	strace $0x8FFFFFFF  }
0x10: {  	s20 =	sld [smem:$0x3FDB];
	_ =	sdelay $0x1  }
0x11: {  	s4 =	simm.s32 $_scs_section_size  }
0x12: {  	s5 =	simm.s32 $_size__tile_overlayer_lowered;
	s6 =	simm.s32 $_tile_overlayer_lowered  }
0x13: {  	s23 =	simm.s32 $0x1BFF;
	s22 =	sshll.u32 s6, $0x1;
	s3 =	sadd.s32 s4, s20  }
0x14: {  	s7 =	simm.s32 $0x0;
	s21 =	sshll.u32 s5, $0x1;
	s5 =	sadd.s32 s22, s3  }
0x15: {  	[timem:s7], [sflag:s23] =	dma.local [hbm:s5], s21  }
0x16: {  	_ =	swait.ge [sflag:s23], s21  }
0x17: {  	s4 =	ssub.s32 $0x0, s21;
	[sflag:s23] =	ssyncset.done $0x0  }
0x18: {  	[sflag:s23] =	ssyncadd.s32 s4;
	_ =	sdelay $0x1  }
0x19: {  	s24 =	simm.s32 $0x1B8B  }
0x1a: {  	_ =	swait.ge [sflag:s24], $0x1  }
0x1b: {  	[sflag:s24] =	ssyncset.done $0x0  }
0x1c: {  	s26 =	simm.s32 $0x1B8E;
	s25 =	sld [smem:$0x3FFE];
	[sflag:s24] =	ssyncadd.s32 $0xFFFFFFFF  }
0x1d: {  	s27 =	simm.s32 $execute0_lowered;
	[smem:$0x3FD2] =	sst s26  }
0x1e: {  	s5 =	sshll.u32 s27, $0x1;
	_ =	strace $0x80000046;
	[dreg:$0x1] =	wrdreg $0xFFFFFFFF  }
0x1f: {  	s28 =	simm.s32 $_size_execute0_lowered;
	s3 =	sadd.s32 s3, s5;
	[dreg:$0x0] =	wrdreg $0x0  }
0x20: {  	s5 =	sshll.u32 s28, $0x1;
	[dreg:$0x2] =	wrdreg s3  }
0x21: {  	[dreg:$0x3] =	wrdreg s5  }
0x22: {  	[dreg:$0x4] =	wrdreg $0xC0  }
0x23: {  	_ =	task [dreg:s7], $0x5FFFF  }
0x24: {  	[dreg:$0x1] =	wrdreg $0xFFFFFFFF  }
0x25: {  	[dreg:$0x0] =	wrdreg $0x60  }
0x26: {  	[dreg:$0x2] =	wrdreg s2  }
0x27: {  	[dreg:$0x3] =	wrdreg s25  }
0x28: {  	[dreg:$0x4] =	wrdreg $0x9  }
0x29: {  	_ =	task.clear_ibuf [dreg:s7], $0x5FFFF;
	_ =	strace $0x90000046  }
0x2a: {  	s29 =	simm.s32 $0x9;
	_ =	strace $0x80000048  }
0x2b: {  	_ =	swait.ge [sflag:s29], $0x1  }
0x2c: {  	[sflag:s29] =	ssyncadd.s32 $0xFFFFFFFF  }
0x2d: {  	_ =	strace $0x90000048  }
0x2e: {  	_ =	sfence  }
0x2f: {  	s30 =	sld [smem:$0x0];
	_ =	sdelay $0x2  }
0x30: {  	s31 =	sshll.u32 s1, $0xD;
	s1 =	sshrl.u32 s1, $0x2  }
0x31: {  	s3 =	sand.u32 $0x4000, s31;
	s1 =	sadd.s32 s1, s30  }
0x32: {  	s0 =	sor.u32 s3, s0;
	s1 =	sshll.u32 s1, $0x11  }
0x33: {  	s0 =	sor.u32 s1, s0  }
0x34: {  	s0 =	sadd.s32 $0x8F2B, s0  }
0x35: {  	[sflag:s0] =	ssyncadd.remote.s32 $0x1  }
0x36: {  	_ =	sfence.sel $0xFFFF  }
0x37: {  	[dreg:$0x0] =	wrdreg $0xFFFFFFFF;
	(pc) =	sbr.abs _section_cstart, $3  }
0x38: {  	[dreg:$0x1] =	wrdreg $0xFFFFFFFF  }
0x39: {  	_ =	task.clear_ibuf [dreg:s7], $0x2FFFF;
	_ =	strace $0x9FFFFFFF  }
0x3a: {  	(tm) =	ssettm $0x7FFFFFFF  }
0x3b: {  	_ =	shalt  }
tec
execute0_lowered:
.L_overlay_start_1:
0x0: {  	(tag) =	ssettag $0x1  }
0x1: {  	s0 =	srdreg.scid;
	s28 =	rddreg [dreg:$0x0]  }
0x2: {  	s1 =	stileid.u32;
	s30 =	rddreg [dreg:$0x1]  }
0x3: {  	_ =	strace $0x80000047;
	s5 =	simm.s32 $0x1;
	s6 =	simm.s32 $0x2  }
0x4: {  	s23 =	simm.s32 $0x0;
	s15 =	simm.s32 $0x80;
	s0 =	sshll.u32 s0, $0x4  }
0x5: {  	s22 =	simm.s32 $0x0;
	s21 =	simm.s32 $0x0;
	s0 =	sand.u32 $0x10, s0  }
0x6: {  	s24 =	simm.s32 $0x0;
	s16 =	simm.s32 $0x0;
	s0 =	sor.u32 s1, s0  }
0x7: {  	s18 =	simm.s32 $0x0;
	s19 =	simm.s32 $0x0;
	s3 =	sshll.u32 s0, $0x3  }
0x8: {  	s20 =	simm.s32 $0x0;
	s2 =	sadd.s32 $0x1600, s30;
	s31 =	ssub.s32 $0x200, s3  }
0x9: {  	s7 =	sadd.s32 $0x3600, s30;
	s8 =	sadd.s32 $0x5600, s30;
	s4 =	sand.u32 $0xF8, s31  }
0xa: {  	s9 =	sadd.s32 $0x7600, s30;
	s1 =	sshrl.u32 s31, $0x8;
	p0 =	sne.s32 s4, $0x0  }
.Ltmp0:
0xb: {  	s4 =	simm.s32 $0x1;
	s5 =	simm.s32 @!p0 $0x0;
	(pc) =	sbr.rel .LBB1_1-.Ltmp0, $4  }
0xc: {  	s10 =	sadd.s32 $0x9600, s30;
	[sflag:s4] =	ssyncpa.u1 $0x0;
	s1 =	sadd.s32 s5, s1  }
0xd: {  	s11 =	sadd.s32 $0xB600, s30;
	[sflag:s6] =	ssyncpa.u1 $0x0;
	s6 =	smul.u32 $0xC, s1  }
0xe: {  	s12 =	sadd.s32 $0xD600, s30;
	s13 =	sadd.s32 $0xF600, s30;
	[dreg:$0x3] =	wrdreg s2  }
0xf: {  	s17 =	smov.u32 s3;
	p0 =	por $0x0, $0x0;
	s14 =	sor.u32 $0x1, s6  }
.LBB1_7:
0x10: {  	s0 =	sadd.s32 $0x80, s16  }
0x11: {  	s1 =	sadd.s32 $0x100, s17;
	s2 =	smov.u32 s17;
	p2 =	sgt.s32 s0, $0x1FF  }
0x12: {  	s2 =	smov.u32 @p2 s1  }
0x13: {  	s25 =	smov.u32 s18;
	s1 =	sadd.s32 $0x10, s18;
	p3 =	sgt.s32 s2, $0x1FF  }
0x14: {  	s25 =	smov.u32 @p3 s1  }
0x15: {  	s1 =	simm.s32 $0x1;
	p4 =	sgt.s32 s25, $0xF  }
0x16: {  	s1 =	simm.s32 @!p4 $0x0  }
0x17: {  	p1 =	slt.u32 s20, $0x2;
	s1 =	sadd.s32 s1, s19  }
0x18: {  	s23 =	smov.u32 s16;
	s0 =	simm.s32 @p2 $0x0;
	p2 =	sgt.s32 s1, $0x2  }
0x19: {  	s22 =	smov.u32 s17;
	s1 =	simm.s32 @p2 $0x0;
	p2 =	sne.s32 s20, s14  }
.Ltmp1:
0x1a: {  	s21 =	smov.u32 s18;
	s26 =	simm.s32 @!p1 $0x2;
	(pc) =	sbr.rel @!p2 .LBB1_8-.Ltmp1, $4  }
0x1b: {  	s24 =	smov.u32 s19;
	p0 =	por !p0, !p0;
	_ =	swait.ge @!p1 [sflag:s26], $0x4000  }
0x1c: {  	[sflag:s26] =	ssyncset.done @!p1 $0x0;
	s16 =	smov.u32 s0;
	s2 =	smov.u32 @p3 s3  }
0x1d: {  	[sflag:s26] =	ssyncadd.s32 @!p1 $0xFFFFC000;
	s17 =	smov.u32 s2;
	s25 =	simm.s32 @p4 $0x0  }
0x1e: {  	s18 =	smov.u32 s25;
	s20 =	sadd.s32 $0x1, s20;
	s19 =	smov.u32 s1  }
.LBB1_1:
0x1f: {  	p1 =	sge.u32 s20, s6;
	s31 =	sadd.s32 $0xFFFFFFFF, s20  }
0x20: {  	s0 =	sxor.u32 @!p1 $0xFFFFFFFF, s20;
	s1 =	sand.u32 @!p1 $0x78, s16;
	s25 =	sshll.u32 @!p1 s17, $0x9  }
0x21: {  	s26 =	sshll.u32 @!p1 s16, $0x3;
	s27 =	sshll.u32 @!p1 s17, $0x7;
	s0 =	sshll.u32 @!p1 s0, $0xE  }
0x22: {  	s25 =	sand.u32 @!p1 $0x3F000, s25;
	s26 =	sand.u32 @!p1 $0x3FC00, s26;
	s0 =	sand.u32 @!p1 $0x4000, s0  }
0x23: {  	s25 =	sadd.s32 @!p1 s25, s26;
	s26 =	sand.u32 @!p1 $0x200, s27;
	s27 =	sand.u32 @!p1 $0x180, s27  }
0x24: {  	s25 =	sor.u32 @!p1 s26, s25;
	s1 =	sor.u32 @!p1 s1, s27;
	s26 =	sshll.u32 @!p1 s19, $0x13  }
0x25: {  	s27 =	sshll.u32 @!p1 s18, $0xF;
	s25 =	sshrl.u32 @!p1 s25, $0x3;
	s26 =	sadd.s32 @!p1 s28, s26  }
0x26: {  	s1 =	sshrl.u32 @!p1 s1, $0x3;
	s26 =	sadd.s32 @!p1 s27, s26;
	s27 =	sand.u32 @!p1 $0x7, s16  }
0x27: {  	s25 =	sand.u32 @!p1 $0x7FC0, s25;
	s1 =	sadd.s32 @!p1 s1, s26;
	s26 =	sshll.u32 @!p1 s27, $0x12  }
0x28: {  	s1 =	sadd.s32 @!p1 s25, s1;
	s25 =	sor.u32 @!p1 $0x400, s26;
	s26 =	simm.s32 @!p1 $0x40000  }
0x29: {  	[tilespmem:s0], [sflag:$0x1] =	stream.strided.gather @!p1 [hbm4b:s1+s25], $0x4000, s26, s25, $0x38;
	[tilespmem:$0x10800] =	vst v63  }
0x2a: {  	p1 =	sge.u32 s31, s6  }
.Ltmp2:
0x2b: {  	_ = 	snop;
	(pc) =	sbr.rel @p1 .LBB1_7-.Ltmp2, $1  }
0x2c: {  	_ =	sdelay $0x3  }
0x2d: {  	s0 =	simm.s32 $0x1;
	s25 =	sand.u32 $0x1, s20  }
0x2e: {  	s0 =	simm.s32 @!p0 $0x0;
	s25 =	smul.u32 $0x11000, s25  }
0x2f: {  	s5 =	smov.u32 s28;
	_ =	swait.ge [sflag:s4], $0x4000;
	s1 =	smul.u32 $0x11000, s0  }
0x30: {  	s29 =	simm.s32 $0x0;
	[sflag:s4] =	ssyncset.done $0x0;
	s0 =	sshll.u32 s0, $0xE  }
0x31: {  	[sflag:s4] =	ssyncadd.s32 $0xFFFFC000;
	s25 =	sshrl.u32 s25, $0x2;
	s1 =	sshrl.u32 s1, $0x2  }
0x32: {  	s28 =	sor.u32 $0x40, s0;
	s26 =	sor.u32 $0x8000, s25;
	s27 =	sor.u32 $0x8000, s1  }
.LBB1_3:
0x33: {  	v0 =	vld [tilespmem:s28+$0x30]  }
0x34: {  	v1 =	vld [tilespmem:s28+$0xFFFFFFD0]  }
0x35: {  	v5 =	vld [tilespmem:s28+$0xFFFFFFE0]  }
0x36: {  	v6 =	vld [tilespmem:s28+$0xFFFFFFF0]  }
0x37: {  	s30 =	sadd.s32 $0x0, s27;
	v2 =	vld [tilespmem:s28+$0x0]  }
0x38: {  	v3 =	vld [tilespmem:s28+$0x10];
	[tilespmem:s30+$0x770 ss:$0x11] =	vst.msk $0xffff, v0  }
0x39: {  	v4 =	vld [tilespmem:s28+$0x20];
	[tilespmem:s30+$0x110 ss:$0x11] =	vst.msk $0xffff, v1  }
0x3a: {  	s31 =	sadd.s32 $0x80, s28;
	v0 =	vld [tilespmem:s28+$0xFFFFFFC0];
	[tilespmem:s30+$0x220 ss:$0x11] =	vst.msk $0xffff, v5  }
0x3b: {  	s1 =	simm.s32 $0x2200;
	s0 =	simm.s32 $0x4400;
	v1 =	vld [tilespmem:s31+$0x30];
	[tilespmem:s30+$0x330 ss:$0x11] =	vst.msk $0xffff, v6  }
.LBB1_4:
0x3c: {  	p1 =	sne.s32 s0, $0xEE00;
	v5 =	vld [tilespmem:s31+$0xFFFFFFD0];
	[tilespmem:s30+$0x440 ss:$0x11] =	vst.msk $0xffff, v2  }
0x3d: {  	v6 =	vld [tilespmem:s31+$0xFFFFFFE0];
	[tilespmem:s30+$0x550 ss:$0x11] =	vst.msk $0xffff, v3  }
0x3e: {  	s2 =	sshra.s32 s1, $0x2;
	s1 =	smov.u32 s0;
	v7 =	vld [tilespmem:s31+$0xFFFFFFF0];
	[tilespmem:s30+$0x660 ss:$0x11] =	vst.msk $0xffff, v4  }
.Ltmp3:
0x3f: {  	v2 =	vld [tilespmem:s31+$0x0];
	[tilespmem:s30+$0x0 ss:$0x11] =	vst.msk $0xffff, v0;
	s30 =	sadd.s32 s2, s27;
	(pc) =	sbr.rel @p1 .LBB1_4-.Ltmp3, $4  }
0x40: {  	v3 =	vld [tilespmem:s31+$0x10];
	[tilespmem:s30+$0x770 ss:$0x11] =	vst.msk $0xffff, v1  }
0x41: {  	[tilespmem:s30+$0x110 ss:$0x11] =	vst.msk $0xffff, v5;
	v4 =	vld [tilespmem:s31+$0x20]  }
0x42: {  	v0 =	vld [tilespmem:s31+$0xFFFFFFC0];
	[tilespmem:s30+$0x220 ss:$0x11] =	vst.msk $0xffff, v6;
	s31 =	sadd.s32 $0x80, s31  }
0x43: {  	s0 =	sadd.s32 $0x2200, s0;
	v1 =	vld [tilespmem:s31+$0x30];
	[tilespmem:s30+$0x330 ss:$0x11] =	vst.msk $0xffff, v7  }
0x44: {  	v5 =	vld [tilespmem:s31+$0xFFFFFFD0];
	[tilespmem:s30+$0x440 ss:$0x11] =	vst.msk $0xffff, v2  }
0x45: {  	v58 =	vld [tilespmem:s31+$0xFFFFFFE0];
	[tilespmem:s30+$0x550 ss:$0x11] =	vst.msk $0xffff, v3  }
0x46: {  	s0 =	sshra.s32 s1, $0x2;
	v59 =	vld [tilespmem:s31+$0xFFFFFFF0];
	[tilespmem:s30+$0x660 ss:$0x11] =	vst.msk $0xffff, v4  }
0x47: {  	v60 =	vld [tilespmem:s31+$0x0];
	s0 =	sadd.s32 s0, s27;
	[tilespmem:s30+$0x0 ss:$0x11] =	vst.msk $0xffff, v0  }
0x48: {  	v61 =	vld [tilespmem:s31+$0x10];
	[tilespmem:s0+$0x770 ss:$0x11] =	vst.msk $0xffff, v1  }
0x49: {  	v62 =	vld [tilespmem:s31+$0x20];
	s29 =	sadd.s32 $0x1, s29;
	[tilespmem:s0+$0x110 ss:$0x11] =	vst.msk $0xffff, v5  }
0x4a: {  	v63 =	vld [tilespmem:s31+$0xFFFFFFC0];
	p1 =	sne.s32 s29, $0x10;
	[tilespmem:s0+$0x220 ss:$0x11] =	vst.msk $0xffff, v58  }
.Ltmp4:
0x4b: {  	[tilespmem:s0+$0x330 ss:$0x11] =	vst.msk $0xffff, v59;
	(pc) =	sbr.rel @p1 .LBB1_3-.Ltmp4, $4  }
0x4c: {  	[tilespmem:s0+$0x440 ss:$0x11] =	vst.msk $0xffff, v60  }
0x4d: {  	[tilespmem:s0+$0x550 ss:$0x11] =	vst.msk $0xffff, v61  }
0x4e: {  	[tilespmem:s0+$0x660 ss:$0x11] =	vst.msk $0xffff, v62  }
0x4f: {  	s28 =	sadd.s32 $0x400, s28;
	s27 =	sadd.s32 $0x1, s27;
	[tilespmem:s0+$0x0 ss:$0x11] =	vst.msk $0xffff, v63  }
0x50: {  	s0 =	sshll.u32 s23, $0x7;
	s1 =	sshll.u32 s21, $0x3  }
0x51: {  	s2 =	sand.u32 $0xFC00, s0;
	s1 =	sand.u32 $0xFC00, s1  }
0x52: {  	s23 =	sshrl.u32 s21, $0x3;
	s0 =	sand.u32 $0x380, s0;
	s1 =	sadd.s32 s1, s2  }
0x53: {  	s2 =	sshll.u32 s22, $0xD;
	s0 =	sor.u32 s0, s1;
	s1 =	sshll.u32 s24, $0x16  }
0x54: {  	s27 =	rddreg [dreg:$0x3];
	s29 =	sand.u32 $0x7, s21;
	s24 =	sadd.s32 s1, s2  }
0x55: {  	s22 =	sand.u32 $0xF, s23;
	s0 =	sshrl.u32 s0, $0x3;
	s23 =	sadd.s32 s27, s24  }
0x56: {  	s21 =	sshll.u32 s29, $0x12;
	s0 =	sand.u32 $0x1FF0, s0;
	s23 =	sadd.s32 s22, s23  }
0x57: {  	s21 =	sor.u32 $0x10, s21;
	s30 =	sadd.s32 s1, s7;
	s23 =	sadd.s32 s0, s23  }
0x58: {  	[hbm4b:s23+s21] =	stream.strided.scatter [tilespmem:s26], [sflag:$0x2], $0x800, s15, s21, $0x8;
	[tilespmem:$0x10800] =	vst v63  }
0x59: {  	s23 =	sadd.s32 s2, s30  }
0x5a: {  	s23 =	sadd.s32 s22, s23  }
0x5b: {  	s31 =	sadd.s32 $0x8880, s25;
	s24 =	sadd.s32 s1, s8;
	s23 =	sadd.s32 s0, s23  }
0x5c: {  	[hbm4b:s23+s21] =	stream.strided.scatter [tilespmem:s31], [sflag:$0x2], $0x800, s15, s21, $0x8;
	[tilespmem:$0x10800] =	vst v63  }
0x5d: {  	s23 =	sadd.s32 s2, s24  }
0x5e: {  	s23 =	sadd.s32 s22, s23  }
0x5f: {  	s27 =	sadd.s32 s1, s9;
	s26 =	sadd.s32 $0x9100, s25;
	s23 =	sadd.s32 s0, s23  }
0x60: {  	[hbm4b:s23+s21] =	stream.strided.scatter [tilespmem:s26], [sflag:$0x2], $0x800, s15, s21, $0x8;
	[tilespmem:$0x10800] =	vst v63  }
0x61: {  	s23 =	sadd.s32 s2, s27  }
0x62: {  	s23 =	sadd.s32 s22, s23  }
0x63: {  	s29 =	sadd.s32 $0x9980, s25;
	s30 =	sadd.s32 s1, s10;
	s23 =	sadd.s32 s0, s23  }
0x64: {  	[hbm4b:s23+s21] =	stream.strided.scatter [tilespmem:s29], [sflag:$0x2], $0x800, s15, s21, $0x8;
	[tilespmem:$0x10800] =	vst v63  }
0x65: {  	s23 =	sadd.s32 s2, s30  }
0x66: {  	s23 =	sadd.s32 s22, s23  }
0x67: {  	s31 =	sadd.s32 $0xA200, s25;
	s26 =	sadd.s32 s1, s11;
	s23 =	sadd.s32 s0, s23  }
0x68: {  	[hbm4b:s23+s21] =	stream.strided.scatter [tilespmem:s31], [sflag:$0x2], $0x800, s15, s21, $0x8;
	[tilespmem:$0x10800] =	vst v63  }
0x69: {  	s23 =	sadd.s32 s2, s26  }
0x6a: {  	s23 =	sadd.s32 s22, s23  }
0x6b: {  	s27 =	sadd.s32 $0xAA80, s25;
	s29 =	sadd.s32 s1, s12;
	s23 =	sadd.s32 s0, s23  }
0x6c: {  	[hbm4b:s23+s21] =	stream.strided.scatter [tilespmem:s27], [sflag:$0x2], $0x800, s15, s21, $0x8;
	[tilespmem:$0x10800] =	vst v63  }
0x6d: {  	s1 =	sadd.s32 s1, s13;
	s23 =	sadd.s32 s2, s29  }
.Ltmp5:
0x6e: {  	s1 =	sadd.s32 s2, s1;
	s23 =	sadd.s32 s22, s23;
	(pc) =	sbr.rel .LBB1_7-.Ltmp5, $4  }
0x6f: {  	s30 =	sadd.s32 $0xB300, s25;
	s1 =	sadd.s32 s22, s1;
	s23 =	sadd.s32 s0, s23  }
0x70: {  	[hbm4b:s23+s21] =	stream.strided.scatter [tilespmem:s30], [sflag:$0x2], $0x800, s15, s21, $0x8;
	[tilespmem:$0x10800] =	vst v63  }
0x71: {  	s28 =	smov.u32 s5;
	s31 =	sadd.s32 $0xBB80, s25;
	s0 =	sadd.s32 s0, s1  }
0x72: {  	[hbm4b:s0+s21] =	stream.strided.scatter [tilespmem:s31], [sflag:$0x2], $0x800, s15, s21, $0x8;
	[tilespmem:$0x10800] =	vst v63  }
.LBB1_8:
0x73: {  	_ =	sfence.sel $0x180000  }
0x74: {  	s0 =	simm.s32 $0x1;
	[bflag:$0x0] =	sbarrier.arrive $0xFFFF  }
0x75: {  	s30 =	simm.s32 $0x2;
	[sflag:s0] =	ssyncpa.u1 $0x1  }
0x76: {  	[sflag:s30] =	ssyncpa.u1 $0x1  }
0x77: {  	_ =	strace $0x90000047  }
0x78: {  	s31 =	stileid.u32;
	[bflag:$0x2] =	sbarrier.arrive $0xFFFF  }
0x79: {  	p0 =	sne.s32 s31, $0x0;
	s0 =	rddreg [dreg:$0x2]  }
0x7a: {  	s0 =	sadd.s32 @!p0 $0x100000, s0  }
0x7b: {  	[sflag:s0] =	ssyncadd.tile.s32 @!p0 $0x1;
	_ =	shalt  }
.Lfunc_end1:
_tile_overlayer_lowered:
.L_overlay_start_2:
0x7c: {  	(tag) =	ssettag $0x2  }
0x7d: {  	s0 =	rddreg [dreg:$0x0];
	s2 =	stileid.u32  }
0x7e: {  	s1 =	rddreg [dreg:$0x1];
	p0 =	sne.s32 s2, $0x0  }
0x7f: {  	s3 =	rddreg [dreg:$0x2];
	[bflag:$0x3] =	sbarrier.arrive $0xFFFF;
	s2 =	simm.s32 @!p0 $0x1C01  }
0x80: {  	[timem:s3], [sflag:s2] =	dma.local @!p0 [hbm:s0], s1  }
0x81: {  	s0 =	simm.s32 @!p0 $0x1  }
0x82: {  	_ =	swait.ge @!p0 [sflag:s0], s1  }
0x83: {  	s1 =	ssub.s32 @!p0 $0x0, s1;
	[sflag:s0] =	ssyncset.done @!p0 $0x0  }
0x84: {  	[sflag:s0] =	ssyncadd.s32 @!p0 s1  }
0x85: {  	[bflag:$0x3] =	sbarrier.arrive $0xFFFF  }
0x86: {  	_ =	shalt  }

</sc_bundles>
